<compile_context>
chip_gen: v7x
topology: tpu7x:2x2x1
jax: 0.10.2.dev20260603
libtpu: 0.0.44.dev20260713+nightly
codegen_flags: <defaults>
</compile_context>

<pallas_src>
import functools

import jax
import jax.numpy as jnp
from jax import lax
from jax.experimental import pallas as pl
from jax.experimental.pallas import tpu as pltpu
from jax.experimental.pallas import tpu_sc as plsc

_NUM_CORES = 2
_NUM_SUBCORES = 16
_NW = _NUM_CORES * _NUM_SUBCORES
_CHUNK = 128


def _sc_scatter_partials(dst_idx, edge_attr, n_pad):
    e, d_edge = edge_attr.shape
    n_chunks = e // _CHUNK
    rows_per_sub = n_pad // _NUM_SUBCORES
    chunks_per, chunks_rem = divmod(n_chunks, _NW)

    mesh = plsc.VectorSubcoreMesh(
        core_axis_name="c", subcore_axis_name="s",
        num_cores=_NUM_CORES, num_subcores=_NUM_SUBCORES)

    pairs = chunks_per // 2
    odd = chunks_per % 2

    @functools.partial(
        pl.kernel,
        out_type=jax.ShapeDtypeStruct((_NUM_CORES, n_pad, d_edge),
                                      jnp.float32),
        mesh=mesh,
        compiler_params=pltpu.CompilerParams(use_tc_tiling_on_sc=False),
        scratch_types=[
            pltpu.VMEM_SHARED((n_pad, d_edge), jnp.float32),
            pltpu.VMEM((_CHUNK,), jnp.int32),
            pltpu.VMEM((_CHUNK,), jnp.int32),
            pltpu.VMEM((_CHUNK, d_edge), jnp.float32),
            pltpu.VMEM((_CHUNK, d_edge), jnp.float32),
            pltpu.VMEM((rows_per_sub, d_edge), jnp.float32),
            pltpu.SemaphoreType.DMA,
            pltpu.SemaphoreType.DMA,
            pltpu.SemaphoreType.DMA,
        ],
    )
    def scatter_kernel(dst_hbm, ea_hbm, out_hbm, agg_sh, idx_a, idx_b,
                       rows_a, rows_b, zbuf, sem_la, sem_lb, sem_sc):
        cid = lax.axis_index("c")
        sid = lax.axis_index("s")
        wid = cid * _NUM_SUBCORES + sid

        def load(j, idx_v, rows_v, sem):
            pltpu.async_copy(dst_hbm.at[pl.ds(j * _CHUNK, _CHUNK)], idx_v,
                             sem)
            pltpu.async_copy(ea_hbm.at[pl.ds(j * _CHUNK, _CHUNK)], rows_v,
                             sem)

        def wait_load(idx_v, rows_v, sem):
            pltpu.make_async_copy(dst_hbm.at[pl.ds(0, _CHUNK)], idx_v,
                                  sem).wait()
            pltpu.make_async_copy(ea_hbm.at[pl.ds(0, _CHUNK)], rows_v,
                                  sem).wait()

        def scatter(idx_v, rows_v):
            pltpu.async_copy(rows_v, agg_sh.at[idx_v], sem_sc,
                             add=True).wait()

        zero_row = jnp.zeros((d_edge,), jnp.float32)

        def zero_body(i, carry):
            zbuf[i] = zero_row
            return carry

        lax.fori_loop(0, rows_per_sub, zero_body, 0)
        row0 = sid * rows_per_sub
        pltpu.sync_copy(zbuf, agg_sh.at[pl.ds(row0, rows_per_sub)])
        plsc.subcore_barrier()

        start = wid * chunks_per
        last_a = start + 2 * (pairs - 1)

        if pairs > 0:
            load(start, idx_a, rows_a, sem_la)
            load(start + 1, idx_b, rows_b, sem_lb)

        def pair_body(p, carry):
            j = start + 2 * p
            wait_load(idx_a, rows_a, sem_la)
            scatter(idx_a, rows_a)
            load(jnp.minimum(j + 2, last_a), idx_a, rows_a, sem_la)

            wait_load(idx_b, rows_b, sem_lb)
            scatter(idx_b, rows_b)
            load(jnp.minimum(j + 3, last_a + 1), idx_b, rows_b, sem_lb)

            return carry

        if pairs > 0:
            lax.fori_loop(0, pairs, pair_body, 0)
            wait_load(idx_a, rows_a, sem_la)
            wait_load(idx_b, rows_b, sem_lb)

        def tail_chunk(j):
            pltpu.sync_copy(dst_hbm.at[pl.ds(j * _CHUNK, _CHUNK)], idx_a)
            pltpu.sync_copy(ea_hbm.at[pl.ds(j * _CHUNK, _CHUNK)], rows_a)
            pltpu.sync_copy(rows_a, agg_sh.at[idx_a], add=True)

        if odd:
            tail_chunk(start + chunks_per - 1)
        if chunks_rem:
            def rem_body(i, carry):
                tail_chunk(_NW * chunks_per + wid)
                return carry

            lax.fori_loop(0, jnp.where(wid < chunks_rem, 1, 0), rem_body, 0)

        plsc.subcore_barrier()

        pltpu.sync_copy(agg_sh.at[pl.ds(row0, rows_per_sub)],
                        out_hbm.at[cid, pl.ds(row0, rows_per_sub)])

    return scatter_kernel(dst_idx, edge_attr)


def _mlp_body(x_ref, a0_ref, a1_ref, u_ref, w1x_ref, w1a_ref, w1u_ref,
              b1_ref, g1_ref, be1_ref, w2_ref, b2_ref, g2_ref, be2_ref,
              w3_ref, b3_ref, out_ref):
    f32 = jnp.float32
    agg = a0_ref[0] + a1_ref[0]
    h = (jnp.dot(x_ref[...], w1x_ref[...], preferred_element_type=f32)
         + jnp.dot(agg, w1a_ref[...], preferred_element_type=f32)
         + jnp.dot(u_ref[...], w1u_ref[...], preferred_element_type=f32)
         + b1_ref[...])
    h = jnp.maximum(h, 0.0)
    mu = jnp.mean(h, axis=-1, keepdims=True)
    var = jnp.mean((h - mu) ** 2, axis=-1, keepdims=True)
    h = (h - mu) / jnp.sqrt(var + 1e-5) * g1_ref[...] + be1_ref[...]
    h = jnp.dot(h, w2_ref[...], preferred_element_type=f32) + b2_ref[...]
    h = jnp.maximum(h, 0.0)
    mu = jnp.mean(h, axis=-1, keepdims=True)
    var = jnp.mean((h - mu) ** 2, axis=-1, keepdims=True)
    h = (h - mu) / jnp.sqrt(var + 1e-5) * g2_ref[...] + be2_ref[...]
    out_ref[...] = (jnp.dot(h, w3_ref[...], preferred_element_type=f32)
                    + b3_ref[...])


def kernel(x, edge_index, edge_attr, u, batch, W1, b1, g1, be1,
           W2, b2, g2, be2, W3, b3):
    n, d_feat = x.shape
    d_edge = edge_attr.shape[1]
    d_u = u.shape[1]
    hidden = W1.shape[1]
    out_size = W3.shape[1]

    dst_idx = edge_index[1].astype(jnp.int32)
    n_pad = -(-n // 128) * 128
    partials = _sc_scatter_partials(dst_idx, edge_attr, n_pad)

    w1x = W1[:d_feat]
    w1a = W1[d_feat:d_feat + d_edge]
    w1u = W1[d_feat + d_edge:]

    br = 1000 if n % 1000 == 0 else n
    grid = (n // br,)
    row_spec = lambda width: pl.BlockSpec((br, width), lambda i: (i, 0))
    full = lambda a: pl.BlockSpec(a.shape, lambda i: (0,) * a.ndim)

    b1r, g1r, be1r = b1.reshape(1, -1), g1.reshape(1, -1), be1.reshape(1, -1)
    b2r, g2r, be2r = b2.reshape(1, -1), g2.reshape(1, -1), be2.reshape(1, -1)
    b3r = b3.reshape(1, -1)

    part_spec = lambda c: pl.BlockSpec((1, br, d_edge),
                                       lambda i, c=c: (c, i, 0))

    return pl.pallas_call(
        _mlp_body,
        grid=grid,
        in_specs=[
            row_spec(d_feat), part_spec(0), part_spec(1),
            full(u), full(w1x), full(w1a), full(w1u),
            full(b1r), full(g1r), full(be1r),
            full(W2), full(b2r), full(g2r), full(be2r),
            full(W3), full(b3r),
        ],
        out_specs=pl.BlockSpec((br, out_size), lambda i: (i, 0)),
        out_shape=jax.ShapeDtypeStruct((n, out_size), jnp.float32),
    )(x, partials, partials, u, w1x, w1a, w1u, b1r, g1r, be1r,
      W2, b2r, g2r, be2r, W3, b3r)

# --- scband reference (transcript-rebuilt; emitter-appended) ---
"""Pipeline reference for scband-node-model-19851338842522 (READ-ONLY COPY).

The authoritative reference and input builder live on the scoring server;
editing this copy changes nothing except your own understanding.
"""

import jax, jax.numpy as jnp
import numpy as np


def _layernorm(h, gamma, beta, eps=1e-5):
    mu = jnp.mean(h, axis=-1, keepdims=True)
    var = jnp.mean((h - mu) ** 2, axis=-1, keepdims=True)
    return (h - mu) / jnp.sqrt(var + eps) * gamma + beta


def setup_inputs(seed: int = 0) -> dict:
    key = jax.random.key(seed)
    ks = jax.random.split(key, 16)
    N, E = 10000, 320000
    d_feat, d_edge, d_u = 128, 16, 16
    input_size, hidden, out_size = 160, 128, 128
    x = jax.random.normal(ks[0], (N, d_feat), dtype=jnp.float32)
    edge_index = jax.random.randint(ks[1], (2, E), 0, N, dtype=jnp.int64)
    edge_attr = jax.random.normal(ks[2], (E, d_edge), dtype=jnp.float32)
    u = jax.random.normal(ks[3], (1, d_u), dtype=jnp.float32)
    batch = jnp.zeros((N,), dtype=jnp.int64)
    s1 = 1.0 / np.sqrt(input_size)
    s2 = 1.0 / np.sqrt(hidden)
    W1 = jax.random.uniform(ks[4], (input_size, hidden), minval=-s1, maxval=s1, dtype=jnp.float32)
    b1 = jax.random.uniform(ks[5], (hidden,), minval=-s1, maxval=s1, dtype=jnp.float32)
    g1 = jnp.ones((hidden,), dtype=jnp.float32)
    be1 = jnp.zeros((hidden,), dtype=jnp.float32)
    W2 = jax.random.uniform(ks[6], (hidden, hidden), minval=-s2, maxval=s2, dtype=jnp.float32)
    b2 = jax.random.uniform(ks[7], (hidden,), minval=-s2, maxval=s2, dtype=jnp.float32)
    g2 = jnp.ones((hidden,), dtype=jnp.float32)
    be2 = jnp.zeros((hidden,), dtype=jnp.float32)
    W3 = jax.random.uniform(ks[8], (hidden, out_size), minval=-s2, maxval=s2, dtype=jnp.float32)
    b3 = jax.random.uniform(ks[9], (out_size,), minval=-s2, maxval=s2, dtype=jnp.float32)
    return {"x": x, "edge_index": edge_index, "edge_attr": edge_attr, "u": u, "batch": batch,
            "W1": W1, "b1": b1, "g1": g1, "be1": be1,
            "W2": W2, "b2": b2, "g2": g2, "be2": be2,
            "W3": W3, "b3": b3}


def reference(x, edge_index, edge_attr, u, batch, W1, b1, g1, be1, W2, b2, g2, be2, W3, b3):
    edge_dst = edge_index[1]
    agg = jnp.zeros((x.shape[0], edge_attr.shape[1]), dtype=edge_attr.dtype).at[edge_dst].add(edge_attr)
    u_exp = jnp.tile(u, (x.shape[0], 1))
    h = jnp.concatenate([x, agg, u_exp], axis=1)
    h = jnp.maximum(h @ W1 + b1, 0.0)
    h = _layernorm(h, g1, be1)
    h = jnp.maximum(h @ W2 + b2, 0.0)
    h = _layernorm(h, g2, be2)
    out = h @ W3 + b3
    return out

if __name__ == "__main__":
    import jax
    _d = setup_inputs()
    print(jax.jit(kernel)(*tuple(_d.values())))

</pallas_src>

<mosaic_0001>
#map = affine_map<(d0, d1) -> (0)>
#map1 = affine_map<(d0, d1) -> (0, 0)>
#map2 = affine_map<(d0, d1) -> (0, 0, 0)>
module attributes {stable_mosaic.version = 14 : i64} {
  func.func @scatter_kernel(%arg0: i32, %arg1: i32, %arg2: memref<320000xi32, #tpu.memory_space<hbm>>, %arg3: memref<320000x16xf32, #tpu.memory_space<hbm>>, %arg4: memref<2x10112x16xf32, #tpu.memory_space<hbm>>, %arg5: memref<10112x16xf32, #tpu.memory_space<vmem_shared>>, %arg6: memref<128xi32, #tpu.memory_space<vmem>>, %arg7: memref<128xi32, #tpu.memory_space<vmem>>, %arg8: memref<128x16xf32, #tpu.memory_space<vmem>>, %arg9: memref<128x16xf32, #tpu.memory_space<vmem>>, %arg10: memref<632x16xf32, #tpu.memory_space<vmem>>, %arg11: memref<!tpu.dma_semaphore, #tpu.memory_space<semaphore_mem>>, %arg12: memref<!tpu.dma_semaphore, #tpu.memory_space<semaphore_mem>>, %arg13: memref<!tpu.dma_semaphore, #tpu.memory_space<semaphore_mem>>) attributes {dimension_semantics = [#tpu.dimension_semantics<core_parallel>, #tpu.dimension_semantics<subcore_parallel>], iteration_bounds = array<i64: 2, 16>, scalar_prefetch = 0 : i64, scratch_operands = 9 : i64, tpu.core_type = #tpu.core_type<sc_vector_subcore>, window_params = [{transform_indices = #map}, {transform_indices = #map1}, {transform_indices = #map2}]} {
    %mul3A = arith.constant 16 : i32
    %mul3A_0 = arith.muli %arg0, %mul3A : i32
    %add3A = arith.addi %mul3A_0, %arg1 : i32
    %broadcast_in_dim3A = arith.constant 0.000000e+00 : f32
    %broadcast_in_dim3A_1 = vector.broadcast %broadcast_in_dim3A : f32 to vector<16xf32>
    %scan3A = arith.constant 0 : i32
    %scan3A_2 = arith.constant 0 : i32
    %scan3A_3 = arith.constant 632 : i32
    %scan3A_4 = arith.addi %scan3A_2, %scan3A_3 : i32
    %scan3A_5 = arith.constant 1 : i32
    scf.for %scan3A_71 = %scan3A_2 to %scan3A_4 step %scan3A_5  : i32 {
      %swap3A = arith.index_cast %scan3A_71 : i32 to index
      %swap3A_72 = arith.constant 0 : index
      %swap3A_73 = tpu.vector_load %arg10[%swap3A, %swap3A_72] {strides = array<i32>} : memref<632x16xf32, #tpu.memory_space<vmem>>, vector<1x16xf32>,
      %swap3A_74 = vector.shape_cast %swap3A_73 : vector<1x16xf32> to vector<16xf32>
      %swap3A_75 = vector.shape_cast %broadcast_in_dim3A_1 : vector<16xf32> to vector<1x16xf32>
      tpu.vector_store %arg10[%swap3A, %swap3A_72], %swap3A_75 {strides = array<i32>} : memref<632x16xf32, #tpu.memory_space<vmem>>, vector<1x16xf32>,
    }
    %scan3A_6 = arith.constant 632 : i32
    %mul3A_7 = arith.constant 632 : i32
    %mul3A_8 = arith.muli %arg1, %mul3A_7 : i32
    "tpu.region"() ({
      %run_scoped3A = tpu.sem_alloc : memref<!tpu.dma_semaphore, #tpu.memory_space<semaphore_mem>>
      %dma_start3A_71 = arith.constant 0 : i32
      %dma_start3A_72 = tpu.memref_slice %arg5[%mul3A_8, %dma_start3A_71] : memref<10112x16xf32, #tpu.memory_space<vmem_shared>> -> memref<632x16xf32, #tpu.memory_space<vmem_shared>>
      %dma_start3A_73 = arith.constant 0 : i32
      %dma_start3A_74 = tpu.memref_slice %arg5[%mul3A_8, %dma_start3A_73] : memref<10112x16xf32, #tpu.memory_space<vmem_shared>> -> memref<632x16xf32, #tpu.memory_space<vmem_shared>>
      tpu.enqueue_dma source(%arg10 : memref<632x16xf32, #tpu.memory_space<vmem>>) target(%dma_start3A_74 : memref<632x16xf32, #tpu.memory_space<vmem_shared>>) target_semaphore(%run_scoped3A : memref<!tpu.dma_semaphore, #tpu.memory_space<semaphore_mem>>)
      %dma_wait3A_75 = arith.constant 0 : i32
      %dma_wait3A_76 = tpu.memref_slice %arg5[%mul3A_8, %dma_wait3A_75] : memref<10112x16xf32, #tpu.memory_space<vmem_shared>> -> memref<632x16xf32, #tpu.memory_space<vmem_shared>>
      %dma_wait3A_77 = arith.constant 0 : i32
      %dma_wait3A_78 = tpu.memref_slice %arg5[%mul3A_8, %dma_wait3A_77] : memref<10112x16xf32, #tpu.memory_space<vmem_shared>> -> memref<632x16xf32, #tpu.memory_space<vmem_shared>>
      tpu.wait_dma2 semaphore(%run_scoped3A : memref<!tpu.dma_semaphore, #tpu.memory_space<semaphore_mem>>) src(%arg10 : memref<632x16xf32, #tpu.memory_space<vmem>>) dst(%dma_wait3A_78 : memref<632x16xf32, #tpu.memory_space<vmem_shared>>)
      tpu.yield
    }) : () -> ()
    %barrier3A = arith.constant 0 : index
    tpu.barrier barrier_id(%barrier3A)
    %mul3A_9 = arith.constant 78 : i32
    %mul3A_10 = arith.muli %add3A, %mul3A_9 : i32
    %add3A_11 = arith.constant 76 : i32
    %add3A_12 = arith.addi %mul3A_10, %add3A_11 : i32
    %mul3A_13 = arith.constant 128 : i32
    %mul3A_14 = arith.muli %mul3A_10, %mul3A_13 : i32
    %dma_start3A = tpu.memref_slice %arg2[%mul3A_14] : memref<320000xi32, #tpu.memory_space<hbm>> -> memref<128xi32, #tpu.memory_space<hbm>>
    %dma_start3A_15 = tpu.memref_slice %arg2[%mul3A_14] : memref<320000xi32, #tpu.memory_space<hbm>> -> memref<128xi32, #tpu.memory_space<hbm>>
    tpu.enqueue_dma source(%dma_start3A_15 : memref<128xi32, #tpu.memory_space<hbm>>) target(%arg6 : memref<128xi32, #tpu.memory_space<vmem>>) target_semaphore(%arg11 : memref<!tpu.dma_semaphore, #tpu.memory_space<semaphore_mem>>)
    %mul3A_16 = arith.constant 128 : i32
    %mul3A_17 = arith.muli %mul3A_10, %mul3A_16 : i32
    %dma_start3A_18 = arith.constant 0 : i32
    %dma_start3A_19 = tpu.memref_slice %arg3[%mul3A_17, %dma_start3A_18] : memref<320000x16xf32, #tpu.memory_space<hbm>> -> memref<128x16xf32, #tpu.memory_space<hbm>>
    %dma_start3A_20 = arith.constant 0 : i32
    %dma_start3A_21 = tpu.memref_slice %arg3[%mul3A_17, %dma_start3A_20] : memref<320000x16xf32, #tpu.memory_space<hbm>> -> memref<128x16xf32, #tpu.memory_space<hbm>>
    tpu.enqueue_dma source(%dma_start3A_21 : memref<128x16xf32, #tpu.memory_space<hbm>>) target(%arg8 : memref<128x16xf32, #tpu.memory_space<vmem>>) target_semaphore(%arg11 : memref<!tpu.dma_semaphore, #tpu.memory_space<semaphore_mem>>)
    %add3A_22 = arith.constant 1 : i32
    %add3A_23 = arith.addi %mul3A_10, %add3A_22 : i32
    %mul3A_24 = arith.constant 128 : i32
    %mul3A_25 = arith.muli %add3A_23, %mul3A_24 : i32
    %dma_start3A_26 = tpu.memref_slice %arg2[%mul3A_25] : memref<320000xi32, #tpu.memory_space<hbm>> -> memref<128xi32, #tpu.memory_space<hbm>>
    %dma_start3A_27 = tpu.memref_slice %arg2[%mul3A_25] : memref<320000xi32, #tpu.memory_space<hbm>> -> memref<128xi32, #tpu.memory_space<hbm>>
    tpu.enqueue_dma source(%dma_start3A_27 : memref<128xi32, #tpu.memory_space<hbm>>) target(%arg7 : memref<128xi32, #tpu.memory_space<vmem>>) target_semaphore(%arg12 : memref<!tpu.dma_semaphore, #tpu.memory_space<semaphore_mem>>)
    %mul3A_28 = arith.constant 128 : i32
    %mul3A_29 = arith.muli %add3A_23, %mul3A_28 : i32
    %dma_start3A_30 = arith.constant 0 : i32
    %dma_start3A_31 = tpu.memref_slice %arg3[%mul3A_29, %dma_start3A_30] : memref<320000x16xf32, #tpu.memory_space<hbm>> -> memref<128x16xf32, #tpu.memory_space<hbm>>
    %dma_start3A_32 = arith.constant 0 : i32
    %dma_start3A_33 = tpu.memref_slice %arg3[%mul3A_29, %dma_start3A_32] : memref<320000x16xf32, #tpu.memory_space<hbm>> -> memref<128x16xf32, #tpu.memory_space<hbm>>
    tpu.enqueue_dma source(%dma_start3A_33 : memref<128x16xf32, #tpu.memory_space<hbm>>) target(%arg9 : memref<128x16xf32, #tpu.memory_space<vmem>>) target_semaphore(%arg12 : memref<!tpu.dma_semaphore, #tpu.memory_space<semaphore_mem>>)
    %scan3A_34 = arith.constant 0 : i32
    %scan3A_35 = arith.constant 0 : i32
    %scan3A_36 = arith.constant 39 : i32
    %scan3A_37 = arith.addi %scan3A_35, %scan3A_36 : i32
    %scan3A_38 = arith.constant 1 : i32
    scf.for %scan3A_71 = %scan3A_35 to %scan3A_37 step %scan3A_38  : i32 {
      %mul3A_72 = arith.constant 2 : i32
      %mul3A_73 = arith.muli %mul3A_72, %scan3A_71 : i32
      %add3A_74 = arith.addi %mul3A_10, %mul3A_73 : i32
      %dma_wait3A_75 = arith.constant 0 : i32
      %dma_wait3A_76 = tpu.memref_slice %arg2[%dma_wait3A_75] : memref<320000xi32, #tpu.memory_space<hbm>> -> memref<128xi32, #tpu.memory_space<hbm>>
      %dma_wait3A_77 = arith.constant 0 : i32
      %dma_wait3A_78 = tpu.memref_slice %arg2[%dma_wait3A_77] : memref<320000xi32, #tpu.memory_space<hbm>> -> memref<128xi32, #tpu.memory_space<hbm>>
      tpu.wait_dma2 semaphore(%arg11 : memref<!tpu.dma_semaphore, #tpu.memory_space<semaphore_mem>>) src(%dma_wait3A_78 : memref<128xi32, #tpu.memory_space<hbm>>) dst(%arg6 : memref<128xi32, #tpu.memory_space<vmem>>)
      %dma_wait3A_79 = arith.constant 0 : i32
      %dma_wait3A_80 = arith.constant 0 : i32
      %dma_wait3A_81 = tpu.memref_slice %arg3[%dma_wait3A_79, %dma_wait3A_80] : memref<320000x16xf32, #tpu.memory_space<hbm>> -> memref<128x16xf32, #tpu.memory_space<hbm>>
      %dma_wait3A_82 = arith.constant 0 : i32
      %dma_wait3A_83 = arith.constant 0 : i32
      %dma_wait3A_84 = tpu.memref_slice %arg3[%dma_wait3A_82, %dma_wait3A_83] : memref<320000x16xf32, #tpu.memory_space<hbm>> -> memref<128x16xf32, #tpu.memory_space<hbm>>
      tpu.wait_dma2 semaphore(%arg11 : memref<!tpu.dma_semaphore, #tpu.memory_space<semaphore_mem>>) src(%dma_wait3A_84 : memref<128x16xf32, #tpu.memory_space<hbm>>) dst(%arg8 : memref<128x16xf32, #tpu.memory_space<vmem>>)
      %dma_start3A_85 = arith.constant 0 : i32
      %dma_start3A_86 = arith.constant 0 : i32
      %dma_start3A_87 = tpu.memref_slice %arg5[%dma_start3A_85, %dma_start3A_86] : memref<10112x16xf32, #tpu.memory_space<vmem_shared>> -> memref<10112x16xf32, #tpu.memory_space<vmem_shared>>
      tpu.enqueue_indirect_dma source(%arg8 : memref<128x16xf32, #tpu.memory_space<vmem>>) target(%dma_start3A_87 : memref<10112x16xf32, #tpu.memory_space<vmem_shared>>) offsets(%arg6 : memref<128xi32, #tpu.memory_space<vmem>>) semaphore(%arg13 : memref<!tpu.dma_semaphore, #tpu.memory_space<semaphore_mem>>) {add = true}
      %dma_wait3A_88 = arith.constant 0 : i32
      %dma_wait3A_89 = arith.constant 0 : i32
      %dma_wait3A_90 = tpu.memref_slice %arg5[%dma_wait3A_88, %dma_wait3A_89] : memref<10112x16xf32, #tpu.memory_space<vmem_shared>> -> memref<10112x16xf32, #tpu.memory_space<vmem_shared>>
      tpu.wait_indirect_dma semaphore(%arg13 : memref<!tpu.dma_semaphore, #tpu.memory_space<semaphore_mem>>) src(%arg8 : memref<128x16xf32, #tpu.memory_space<vmem>>) dst(%dma_wait3A_90 : memref<10112x16xf32, #tpu.memory_space<vmem_shared>>)
      %add3A_91 = arith.constant 2 : i32
      %add3A_92 = arith.addi %add3A_74, %add3A_91 : i32
      %min3A = arith.minsi %add3A_92, %add3A_12 : i32
      %mul3A_93 = arith.constant 128 : i32
      %mul3A_94 = arith.muli %min3A, %mul3A_93 : i32
      %dma_start3A_95 = tpu.memref_slice %arg2[%mul3A_94] : memref<320000xi32, #tpu.memory_space<hbm>> -> memref<128xi32, #tpu.memory_space<hbm>>
      %dma_start3A_96 = tpu.memref_slice %arg2[%mul3A_94] : memref<320000xi32, #tpu.memory_space<hbm>> -> memref<128xi32, #tpu.memory_space<hbm>>
      tpu.enqueue_dma source(%dma_start3A_96 : memref<128xi32, #tpu.memory_space<hbm>>) target(%arg6 : memref<128xi32, #tpu.memory_space<vmem>>) target_semaphore(%arg11 : memref<!tpu.dma_semaphore, #tpu.memory_space<semaphore_mem>>)
      %mul3A_97 = arith.constant 128 : i32
      %mul3A_98 = arith.muli %min3A, %mul3A_97 : i32
      %dma_start3A_99 = arith.constant 0 : i32
      %dma_start3A_100 = tpu.memref_slice %arg3[%mul3A_98, %dma_start3A_99] : memref<320000x16xf32, #tpu.memory_space<hbm>> -> memref<128x16xf32, #tpu.memory_space<hbm>>
      %dma_start3A_101 = arith.constant 0 : i32
      %dma_start3A_102 = tpu.memref_slice %arg3[%mul3A_98, %dma_start3A_101] : memref<320000x16xf32, #tpu.memory_space<hbm>> -> memref<128x16xf32, #tpu.memory_space<hbm>>
      tpu.enqueue_dma source(%dma_start3A_102 : memref<128x16xf32, #tpu.memory_space<hbm>>) target(%arg8 : memref<128x16xf32, #tpu.memory_space<vmem>>) target_semaphore(%arg11 : memref<!tpu.dma_semaphore, #tpu.memory_space<semaphore_mem>>)
      %dma_wait3A_103 = arith.constant 0 : i32
      %dma_wait3A_104 = tpu.memref_slice %arg2[%dma_wait3A_103] : memref<320000xi32, #tpu.memory_space<hbm>> -> memref<128xi32, #tpu.memory_space<hbm>>
      %dma_wait3A_105 = arith.constant 0 : i32
      %dma_wait3A_106 = tpu.memref_slice %arg2[%dma_wait3A_105] : memref<320000xi32, #tpu.memory_space<hbm>> -> memref<128xi32, #tpu.memory_space<hbm>>
      tpu.wait_dma2 semaphore(%arg12 : memref<!tpu.dma_semaphore, #tpu.memory_space<semaphore_mem>>) src(%dma_wait3A_106 : memref<128xi32, #tpu.memory_space<hbm>>) dst(%arg7 : memref<128xi32, #tpu.memory_space<vmem>>)
      %dma_wait3A_107 = arith.constant 0 : i32
      %dma_wait3A_108 = arith.constant 0 : i32
      %dma_wait3A_109 = tpu.memref_slice %arg3[%dma_wait3A_107, %dma_wait3A_108] : memref<320000x16xf32, #tpu.memory_space<hbm>> -> memref<128x16xf32, #tpu.memory_space<hbm>>
      %dma_wait3A_110 = arith.constant 0 : i32
      %dma_wait3A_111 = arith.constant 0 : i32
      %dma_wait3A_112 = tpu.memref_slice %arg3[%dma_wait3A_110, %dma_wait3A_111] : memref<320000x16xf32, #tpu.memory_space<hbm>> -> memref<128x16xf32, #tpu.memory_space<hbm>>
      tpu.wait_dma2 semaphore(%arg12 : memref<!tpu.dma_semaphore, #tpu.memory_space<semaphore_mem>>) src(%dma_wait3A_112 : memref<128x16xf32, #tpu.memory_space<hbm>>) dst(%arg9 : memref<128x16xf32, #tpu.memory_space<vmem>>)
      %dma_start3A_113 = arith.constant 0 : i32
      %dma_start3A_114 = arith.constant 0 : i32
      %dma_start3A_115 = tpu.memref_slice %arg5[%dma_start3A_113, %dma_start3A_114] : memref<10112x16xf32, #tpu.memory_space<vmem_shared>> -> memref<10112x16xf32, #tpu.memory_space<vmem_shared>>
      tpu.enqueue_indirect_dma source(%arg9 : memref<128x16xf32, #tpu.memory_space<vmem>>) target(%dma_start3A_115 : memref<10112x16xf32, #tpu.memory_space<vmem_shared>>) offsets(%arg7 : memref<128xi32, #tpu.memory_space<vmem>>) semaphore(%arg13 : memref<!tpu.dma_semaphore, #tpu.memory_space<semaphore_mem>>) {add = true}
      %dma_wait3A_116 = arith.constant 0 : i32
      %dma_wait3A_117 = arith.constant 0 : i32
      %dma_wait3A_118 = tpu.memref_slice %arg5[%dma_wait3A_116, %dma_wait3A_117] : memref<10112x16xf32, #tpu.memory_space<vmem_shared>> -> memref<10112x16xf32, #tpu.memory_space<vmem_shared>>
      tpu.wait_indirect_dma semaphore(%arg13 : memref<!tpu.dma_semaphore, #tpu.memory_space<semaphore_mem>>) src(%arg9 : memref<128x16xf32, #tpu.memory_space<vmem>>) dst(%dma_wait3A_118 : memref<10112x16xf32, #tpu.memory_space<vmem_shared>>)
      %add3A_119 = arith.constant 3 : i32
      %add3A_120 = arith.addi %add3A_74, %add3A_119 : i32
      %add3A_121 = arith.constant 1 : i32
      %add3A_122 = arith.addi %add3A_12, %add3A_121 : i32
      %min3A_123 = arith.minsi %add3A_120, %add3A_122 : i32
      %mul3A_124 = arith.constant 128 : i32
      %mul3A_125 = arith.muli %min3A_123, %mul3A_124 : i32
      %dma_start3A_126 = tpu.memref_slice %arg2[%mul3A_125] : memref<320000xi32, #tpu.memory_space<hbm>> -> memref<128xi32, #tpu.memory_space<hbm>>
      %dma_start3A_127 = tpu.memref_slice %arg2[%mul3A_125] : memref<320000xi32, #tpu.memory_space<hbm>> -> memref<128xi32, #tpu.memory_space<hbm>>
      tpu.enqueue_dma source(%dma_start3A_127 : memref<128xi32, #tpu.memory_space<hbm>>) target(%arg7 : memref<128xi32, #tpu.memory_space<vmem>>) target_semaphore(%arg12 : memref<!tpu.dma_semaphore, #tpu.memory_space<semaphore_mem>>)
      %mul3A_128 = arith.constant 128 : i32
      %mul3A_129 = arith.muli %min3A_123, %mul3A_128 : i32
      %dma_start3A_130 = arith.constant 0 : i32
      %dma_start3A_131 = tpu.memref_slice %arg3[%mul3A_129, %dma_start3A_130] : memref<320000x16xf32, #tpu.memory_space<hbm>> -> memref<128x16xf32, #tpu.memory_space<hbm>>
      %dma_start3A_132 = arith.constant 0 : i32
      %dma_start3A_133 = tpu.memref_slice %arg3[%mul3A_129, %dma_start3A_132] : memref<320000x16xf32, #tpu.memory_space<hbm>> -> memref<128x16xf32, #tpu.memory_space<hbm>>
      tpu.enqueue_dma source(%dma_start3A_133 : memref<128x16xf32, #tpu.memory_space<hbm>>) target(%arg9 : memref<128x16xf32, #tpu.memory_space<vmem>>) target_semaphore(%arg12 : memref<!tpu.dma_semaphore, #tpu.memory_space<semaphore_mem>>)
    }
    %scan3A_39 = arith.constant 39 : i32
    %dma_wait3A = arith.constant 0 : i32
    %dma_wait3A_40 = tpu.memref_slice %arg2[%dma_wait3A] : memref<320000xi32, #tpu.memory_space<hbm>> -> memref<128xi32, #tpu.memory_space<hbm>>
    %dma_wait3A_41 = arith.constant 0 : i32
    %dma_wait3A_42 = tpu.memref_slice %arg2[%dma_wait3A_41] : memref<320000xi32, #tpu.memory_space<hbm>> -> memref<128xi32, #tpu.memory_space<hbm>>
    tpu.wait_dma2 semaphore(%arg11 : memref<!tpu.dma_semaphore, #tpu.memory_space<semaphore_mem>>) src(%dma_wait3A_42 : memref<128xi32, #tpu.memory_space<hbm>>) dst(%arg6 : memref<128xi32, #tpu.memory_space<vmem>>)
    %dma_wait3A_43 = arith.constant 0 : i32
    %dma_wait3A_44 = arith.constant 0 : i32
    %dma_wait3A_45 = tpu.memref_slice %arg3[%dma_wait3A_43, %dma_wait3A_44] : memref<320000x16xf32, #tpu.memory_space<hbm>> -> memref<128x16xf32, #tpu.memory_space<hbm>>
    %dma_wait3A_46 = arith.constant 0 : i32
    %dma_wait3A_47 = arith.constant 0 : i32
    %dma_wait3A_48 = tpu.memref_slice %arg3[%dma_wait3A_46, %dma_wait3A_47] : memref<320000x16xf32, #tpu.memory_space<hbm>> -> memref<128x16xf32, #tpu.memory_space<hbm>>
    tpu.wait_dma2 semaphore(%arg11 : memref<!tpu.dma_semaphore, #tpu.memory_space<semaphore_mem>>) src(%dma_wait3A_48 : memref<128x16xf32, #tpu.memory_space<hbm>>) dst(%arg8 : memref<128x16xf32, #tpu.memory_space<vmem>>)
    %dma_wait3A_49 = arith.constant 0 : i32
    %dma_wait3A_50 = tpu.memref_slice %arg2[%dma_wait3A_49] : memref<320000xi32, #tpu.memory_space<hbm>> -> memref<128xi32, #tpu.memory_space<hbm>>
    %dma_wait3A_51 = arith.constant 0 : i32
    %dma_wait3A_52 = tpu.memref_slice %arg2[%dma_wait3A_51] : memref<320000xi32, #tpu.memory_space<hbm>> -> memref<128xi32, #tpu.memory_space<hbm>>
    tpu.wait_dma2 semaphore(%arg12 : memref<!tpu.dma_semaphore, #tpu.memory_space<semaphore_mem>>) src(%dma_wait3A_52 : memref<128xi32, #tpu.memory_space<hbm>>) dst(%arg7 : memref<128xi32, #tpu.memory_space<vmem>>)
    %dma_wait3A_53 = arith.constant 0 : i32
    %dma_wait3A_54 = arith.constant 0 : i32
    %dma_wait3A_55 = tpu.memref_slice %arg3[%dma_wait3A_53, %dma_wait3A_54] : memref<320000x16xf32, #tpu.memory_space<hbm>> -> memref<128x16xf32, #tpu.memory_space<hbm>>
    %dma_wait3A_56 = arith.constant 0 : i32
    %dma_wait3A_57 = arith.constant 0 : i32
    %dma_wait3A_58 = tpu.memref_slice %arg3[%dma_wait3A_56, %dma_wait3A_57] : memref<320000x16xf32, #tpu.memory_space<hbm>> -> memref<128x16xf32, #tpu.memory_space<hbm>>
    tpu.wait_dma2 semaphore(%arg12 : memref<!tpu.dma_semaphore, #tpu.memory_space<semaphore_mem>>) src(%dma_wait3A_58 : memref<128x16xf32, #tpu.memory_space<hbm>>) dst(%arg9 : memref<128x16xf32, #tpu.memory_space<vmem>>)
    %lt3A = arith.constant 4 : i32
    %lt3A_59 = arith.cmpi slt, %add3A, %lt3A : i32
    %jit3A = arith.constant 1 : i32
    %jit3A_60 = arith.constant 0 : i32
    %select_n3A = arith.select %lt3A_59, %jit3A, %jit3A_60 : i32
    %while3A = arith.constant 0 : i32
    %while3A_61 = arith.constant 0 : i32
    %while3A_62 = arith.subi %select_n3A, %while3A_61 : i32
    %while3A_63 = arith.addi %while3A_61, %while3A_62 : i32
    %while3A_64 = arith.constant 1 : i32
    %while3A_65 = arith.divsi %while3A_62, %while3A_64 : i32
    %while3A_66 = arith.muli %while3A_65, %while3A_64 : i32
    %while3A_67 = arith.addi %while3A_61, %while3A_66 : i32
    %while3A_68 = arith.constant 1 : i32
    scf.for %while3A_71 = %while3A_61 to %while3A_67 step %while3A_68  : i32 {
      %add3A_72 = arith.constant 2496 : i32
      %add3A_73 = arith.addi %add3A_72, %add3A : i32
      %mul3A_74 = arith.constant 128 : i32
      %mul3A_75 = arith.muli %add3A_73, %mul3A_74 : i32
      "tpu.region"() ({
        %run_scoped3A = tpu.sem_alloc : memref<!tpu.dma_semaphore, #tpu.memory_space<semaphore_mem>>
        %dma_start3A_78 = tpu.memref_slice %arg2[%mul3A_75] : memref<320000xi32, #tpu.memory_space<hbm>> -> memref<128xi32, #tpu.memory_space<hbm>>
        %dma_start3A_79 = tpu.memref_slice %arg2[%mul3A_75] : memref<320000xi32, #tpu.memory_space<hbm>> -> memref<128xi32, #tpu.memory_space<hbm>>
        tpu.enqueue_dma source(%dma_start3A_79 : memref<128xi32, #tpu.memory_space<hbm>>) target(%arg6 : memref<128xi32, #tpu.memory_space<vmem>>) target_semaphore(%run_scoped3A : memref<!tpu.dma_semaphore, #tpu.memory_space<semaphore_mem>>)
        %dma_wait3A_80 = tpu.memref_slice %arg2[%mul3A_75] : memref<320000xi32, #tpu.memory_space<hbm>> -> memref<128xi32, #tpu.memory_space<hbm>>
        %dma_wait3A_81 = tpu.memref_slice %arg2[%mul3A_75] : memref<320000xi32, #tpu.memory_space<hbm>> -> memref<128xi32, #tpu.memory_space<hbm>>
        tpu.wait_dma2 semaphore(%run_scoped3A : memref<!tpu.dma_semaphore, #tpu.memory_space<semaphore_mem>>) src(%dma_wait3A_81 : memref<128xi32, #tpu.memory_space<hbm>>) dst(%arg6 : memref<128xi32, #tpu.memory_space<vmem>>)
        tpu.yield
      }) : () -> ()
      %mul3A_76 = arith.constant 128 : i32
      %mul3A_77 = arith.muli %add3A_73, %mul3A_76 : i32
      "tpu.region"() ({
        %run_scoped3A = tpu.sem_alloc : memref<!tpu.dma_semaphore, #tpu.memory_space<semaphore_mem>>
        %dma_start3A_78 = arith.constant 0 : i32
        %dma_start3A_79 = tpu.memref_slice %arg3[%mul3A_77, %dma_start3A_78] : memref<320000x16xf32, #tpu.memory_space<hbm>> -> memref<128x16xf32, #tpu.memory_space<hbm>>
        %dma_start3A_80 = arith.constant 0 : i32
        %dma_start3A_81 = tpu.memref_slice %arg3[%mul3A_77, %dma_start3A_80] : memref<320000x16xf32, #tpu.memory_space<hbm>> -> memref<128x16xf32, #tpu.memory_space<hbm>>
        tpu.enqueue_dma source(%dma_start3A_81 : memref<128x16xf32, #tpu.memory_space<hbm>>) target(%arg8 : memref<128x16xf32, #tpu.memory_space<vmem>>) target_semaphore(%run_scoped3A : memref<!tpu.dma_semaphore, #tpu.memory_space<semaphore_mem>>)
        %dma_wait3A_82 = arith.constant 0 : i32
        %dma_wait3A_83 = tpu.memref_slice %arg3[%mul3A_77, %dma_wait3A_82] : memref<320000x16xf32, #tpu.memory_space<hbm>> -> memref<128x16xf32, #tpu.memory_space<hbm>>
        %dma_wait3A_84 = arith.constant 0 : i32
        %dma_wait3A_85 = tpu.memref_slice %arg3[%mul3A_77, %dma_wait3A_84] : memref<320000x16xf32, #tpu.memory_space<hbm>> -> memref<128x16xf32, #tpu.memory_space<hbm>>
        tpu.wait_dma2 semaphore(%run_scoped3A : memref<!tpu.dma_semaphore, #tpu.memory_space<semaphore_mem>>) src(%dma_wait3A_85 : memref<128x16xf32, #tpu.memory_space<hbm>>) dst(%arg8 : memref<128x16xf32, #tpu.memory_space<vmem>>)
        tpu.yield
      }) : () -> ()
      "tpu.region"() ({
        %run_scoped3A = tpu.sem_alloc : memref<!tpu.dma_semaphore, #tpu.memory_space<semaphore_mem>>
        %dma_start3A_78 = arith.constant 0 : i32
        %dma_start3A_79 = arith.constant 0 : i32
        %dma_start3A_80 = tpu.memref_slice %arg5[%dma_start3A_78, %dma_start3A_79] : memref<10112x16xf32, #tpu.memory_space<vmem_shared>> -> memref<10112x16xf32, #tpu.memory_space<vmem_shared>>
        tpu.enqueue_indirect_dma source(%arg8 : memref<128x16xf32, #tpu.memory_space<vmem>>) target(%dma_start3A_80 : memref<10112x16xf32, #tpu.memory_space<vmem_shared>>) offsets(%arg6 : memref<128xi32, #tpu.memory_space<vmem>>) semaphore(%run_scoped3A : memref<!tpu.dma_semaphore, #tpu.memory_space<semaphore_mem>>) {add = true}
        %dma_wait3A_81 = arith.constant 0 : i32
        %dma_wait3A_82 = arith.constant 0 : i32
        %dma_wait3A_83 = tpu.memref_slice %arg5[%dma_wait3A_81, %dma_wait3A_82] : memref<10112x16xf32, #tpu.memory_space<vmem_shared>> -> memref<10112x16xf32, #tpu.memory_space<vmem_shared>>
        tpu.wait_indirect_dma semaphore(%run_scoped3A : memref<!tpu.dma_semaphore, #tpu.memory_space<semaphore_mem>>) src(%arg8 : memref<128x16xf32, #tpu.memory_space<vmem>>) dst(%dma_wait3A_83 : memref<10112x16xf32, #tpu.memory_space<vmem_shared>>)
        tpu.yield
      }) : () -> ()
    }
    %while3A_69 = arith.constant 1 : i32
    scf.for %while3A_71 = %while3A_67 to %while3A_63 step %while3A_69  : i32 {
      %add3A_72 = arith.constant 2496 : i32
      %add3A_73 = arith.addi %add3A_72, %add3A : i32
      %mul3A_74 = arith.constant 128 : i32
      %mul3A_75 = arith.muli %add3A_73, %mul3A_74 : i32
      "tpu.region"() ({
        %run_scoped3A = tpu.sem_alloc : memref<!tpu.dma_semaphore, #tpu.memory_space<semaphore_mem>>
        %dma_start3A_78 = tpu.memref_slice %arg2[%mul3A_75] : memref<320000xi32, #tpu.memory_space<hbm>> -> memref<128xi32, #tpu.memory_space<hbm>>
        %dma_start3A_79 = tpu.memref_slice %arg2[%mul3A_75] : memref<320000xi32, #tpu.memory_space<hbm>> -> memref<128xi32, #tpu.memory_space<hbm>>
        tpu.enqueue_dma source(%dma_start3A_79 : memref<128xi32, #tpu.memory_space<hbm>>) target(%arg6 : memref<128xi32, #tpu.memory_space<vmem>>) target_semaphore(%run_scoped3A : memref<!tpu.dma_semaphore, #tpu.memory_space<semaphore_mem>>)
        %dma_wait3A_80 = tpu.memref_slice %arg2[%mul3A_75] : memref<320000xi32, #tpu.memory_space<hbm>> -> memref<128xi32, #tpu.memory_space<hbm>>
        %dma_wait3A_81 = tpu.memref_slice %arg2[%mul3A_75] : memref<320000xi32, #tpu.memory_space<hbm>> -> memref<128xi32, #tpu.memory_space<hbm>>
        tpu.wait_dma2 semaphore(%run_scoped3A : memref<!tpu.dma_semaphore, #tpu.memory_space<semaphore_mem>>) src(%dma_wait3A_81 : memref<128xi32, #tpu.memory_space<hbm>>) dst(%arg6 : memref<128xi32, #tpu.memory_space<vmem>>)
        tpu.yield
      }) : () -> ()
      %mul3A_76 = arith.constant 128 : i32
      %mul3A_77 = arith.muli %add3A_73, %mul3A_76 : i32
      "tpu.region"() ({
        %run_scoped3A = tpu.sem_alloc : memref<!tpu.dma_semaphore, #tpu.memory_space<semaphore_mem>>
        %dma_start3A_78 = arith.constant 0 : i32
        %dma_start3A_79 = tpu.memref_slice %arg3[%mul3A_77, %dma_start3A_78] : memref<320000x16xf32, #tpu.memory_space<hbm>> -> memref<128x16xf32, #tpu.memory_space<hbm>>
        %dma_start3A_80 = arith.constant 0 : i32
        %dma_start3A_81 = tpu.memref_slice %arg3[%mul3A_77, %dma_start3A_80] : memref<320000x16xf32, #tpu.memory_space<hbm>> -> memref<128x16xf32, #tpu.memory_space<hbm>>
        tpu.enqueue_dma source(%dma_start3A_81 : memref<128x16xf32, #tpu.memory_space<hbm>>) target(%arg8 : memref<128x16xf32, #tpu.memory_space<vmem>>) target_semaphore(%run_scoped3A : memref<!tpu.dma_semaphore, #tpu.memory_space<semaphore_mem>>)
        %dma_wait3A_82 = arith.constant 0 : i32
        %dma_wait3A_83 = tpu.memref_slice %arg3[%mul3A_77, %dma_wait3A_82] : memref<320000x16xf32, #tpu.memory_space<hbm>> -> memref<128x16xf32, #tpu.memory_space<hbm>>
        %dma_wait3A_84 = arith.constant 0 : i32
        %dma_wait3A_85 = tpu.memref_slice %arg3[%mul3A_77, %dma_wait3A_84] : memref<320000x16xf32, #tpu.memory_space<hbm>> -> memref<128x16xf32, #tpu.memory_space<hbm>>
        tpu.wait_dma2 semaphore(%run_scoped3A : memref<!tpu.dma_semaphore, #tpu.memory_space<semaphore_mem>>) src(%dma_wait3A_85 : memref<128x16xf32, #tpu.memory_space<hbm>>) dst(%arg8 : memref<128x16xf32, #tpu.memory_space<vmem>>)
        tpu.yield
      }) : () -> ()
      "tpu.region"() ({
        %run_scoped3A = tpu.sem_alloc : memref<!tpu.dma_semaphore, #tpu.memory_space<semaphore_mem>>
        %dma_start3A_78 = arith.constant 0 : i32
        %dma_start3A_79 = arith.constant 0 : i32
        %dma_start3A_80 = tpu.memref_slice %arg5[%dma_start3A_78, %dma_start3A_79] : memref<10112x16xf32, #tpu.memory_space<vmem_shared>> -> memref<10112x16xf32, #tpu.memory_space<vmem_shared>>
        tpu.enqueue_indirect_dma source(%arg8 : memref<128x16xf32, #tpu.memory_space<vmem>>) target(%dma_start3A_80 : memref<10112x16xf32, #tpu.memory_space<vmem_shared>>) offsets(%arg6 : memref<128xi32, #tpu.memory_space<vmem>>) semaphore(%run_scoped3A : memref<!tpu.dma_semaphore, #tpu.memory_space<semaphore_mem>>) {add = true}
        %dma_wait3A_81 = arith.constant 0 : i32
        %dma_wait3A_82 = arith.constant 0 : i32
        %dma_wait3A_83 = tpu.memref_slice %arg5[%dma_wait3A_81, %dma_wait3A_82] : memref<10112x16xf32, #tpu.memory_space<vmem_shared>> -> memref<10112x16xf32, #tpu.memory_space<vmem_shared>>
        tpu.wait_indirect_dma semaphore(%run_scoped3A : memref<!tpu.dma_semaphore, #tpu.memory_space<semaphore_mem>>) src(%arg8 : memref<128x16xf32, #tpu.memory_space<vmem>>) dst(%dma_wait3A_83 : memref<10112x16xf32, #tpu.memory_space<vmem_shared>>)
        tpu.yield
      }) : () -> ()
    }
    %barrier3A_70 = arith.constant 0 : index
    tpu.barrier barrier_id(%barrier3A_70)
    "tpu.region"() ({
      %run_scoped3A = tpu.sem_alloc : memref<!tpu.dma_semaphore, #tpu.memory_space<semaphore_mem>>
      %dma_start3A_71 = arith.constant 0 : i32
      %dma_start3A_72 = tpu.memref_slice %arg4[%arg0, %mul3A_8, %dma_start3A_71] : memref<2x10112x16xf32, #tpu.memory_space<hbm>> -> memref<1x632x16xf32, #tpu.memory_space<hbm>>
      %dma_start3A_73 = tpu.memref_squeeze %dma_start3A_72 : memref<1x632x16xf32, #tpu.memory_space<hbm>> -> memref<632x16xf32, #tpu.memory_space<hbm>>
      %dma_start3A_74 = arith.constant 0 : i32
      %dma_start3A_75 = tpu.memref_slice %arg5[%mul3A_8, %dma_start3A_74] : memref<10112x16xf32, #tpu.memory_space<vmem_shared>> -> memref<632x16xf32, #tpu.memory_space<vmem_shared>>
      tpu.enqueue_dma source(%dma_start3A_75 : memref<632x16xf32, #tpu.memory_space<vmem_shared>>) target(%dma_start3A_73 : memref<632x16xf32, #tpu.memory_space<hbm>>) target_semaphore(%run_scoped3A : memref<!tpu.dma_semaphore, #tpu.memory_space<semaphore_mem>>)
      %dma_wait3A_76 = arith.constant 0 : i32
      %dma_wait3A_77 = tpu.memref_slice %arg4[%arg0, %mul3A_8, %dma_wait3A_76] : memref<2x10112x16xf32, #tpu.memory_space<hbm>> -> memref<1x632x16xf32, #tpu.memory_space<hbm>>
      %dma_wait3A_78 = tpu.memref_squeeze %dma_wait3A_77 : memref<1x632x16xf32, #tpu.memory_space<hbm>> -> memref<632x16xf32, #tpu.memory_space<hbm>>
      %dma_wait3A_79 = arith.constant 0 : i32
      %dma_wait3A_80 = tpu.memref_slice %arg5[%mul3A_8, %dma_wait3A_79] : memref<10112x16xf32, #tpu.memory_space<vmem_shared>> -> memref<632x16xf32, #tpu.memory_space<vmem_shared>>
      tpu.wait_dma2 semaphore(%run_scoped3A : memref<!tpu.dma_semaphore, #tpu.memory_space<semaphore_mem>>) src(%dma_wait3A_80 : memref<632x16xf32, #tpu.memory_space<vmem_shared>>) dst(%dma_wait3A_78 : memref<632x16xf32, #tpu.memory_space<hbm>>)
      tpu.yield
    }) : () -> ()
    return
  }
}

module attributes {stable_mosaic.version = 14 : i64} {
  func.func @_mlp_body(%arg0: i32, %arg1: memref<1000x128xf32, #tpu.memory_space<vmem>>, %arg2: memref<1x1000x16xf32, #tpu.memory_space<vmem>>, %arg3: memref<1x1000x16xf32, #tpu.memory_space<vmem>>, %arg4: memref<1x16xf32, #tpu.memory_space<vmem>>, %arg5: memref<128x128xf32, #tpu.memory_space<vmem>>, %arg6: memref<16x128xf32, #tpu.memory_space<vmem>>, %arg7: memref<16x128xf32, #tpu.memory_space<vmem>>, %arg8: memref<1x128xf32, #tpu.memory_space<vmem>>, %arg9: memref<1x128xf32, #tpu.memory_space<vmem>>, %arg10: memref<1x128xf32, #tpu.memory_space<vmem>>, %arg11: memref<128x128xf32, #tpu.memory_space<vmem>>, %arg12: memref<1x128xf32, #tpu.memory_space<vmem>>, %arg13: memref<1x128xf32, #tpu.memory_space<vmem>>, %arg14: memref<1x128xf32, #tpu.memory_space<vmem>>, %arg15: memref<128x128xf32, #tpu.memory_space<vmem>>, %arg16: memref<1x128xf32, #tpu.memory_space<vmem>>, %arg17: memref<1000x128xf32, #tpu.memory_space<vmem>>) attributes {dimension_semantics = [#tpu.dimension_semantics<arbitrary>], iteration_bounds = array<i64: 10>, scalar_prefetch = 0 : i64, scratch_operands = 0 : i64, tpu.core_type = #tpu.core_type<tc>, window_params = [{transform_indices = @transform_0, window_bounds = array<i64: 1000, 128>}, {transform_indices = @transform_1, window_bounds = array<i64: 1, 1000, 16>}, {transform_indices = @transform_2, window_bounds = array<i64: 1, 1000, 16>}, {pipeline_mode = #tpu.pipeline_mode<synchronous>, transform_indices = @transform_3, window_bounds = array<i64: 1, 16>}, {pipeline_mode = #tpu.pipeline_mode<synchronous>, transform_indices = @transform_4, window_bounds = array<i64: 128, 128>}, {pipeline_mode = #tpu.pipeline_mode<synchronous>, transform_indices = @transform_5, window_bounds = array<i64: 16, 128>}, {pipeline_mode = #tpu.pipeline_mode<synchronous>, transform_indices = @transform_6, window_bounds = array<i64: 16, 128>}, {pipeline_mode = #tpu.pipeline_mode<synchronous>, transform_indices = @transform_7, window_bounds = array<i64: 1, 128>}, {pipeline_mode = #tpu.pipeline_mode<synchronous>, transform_indices = @transform_8, window_bounds = array<i64: 1, 128>}, {pipeline_mode = #tpu.pipeline_mode<synchronous>, transform_indices = @transform_9, window_bounds = array<i64: 1, 128>}, {pipeline_mode = #tpu.pipeline_mode<synchronous>, transform_indices = @transform_10, window_bounds = array<i64: 128, 128>}, {pipeline_mode = #tpu.pipeline_mode<synchronous>, transform_indices = @transform_11, window_bounds = array<i64: 1, 128>}, {pipeline_mode = #tpu.pipeline_mode<synchronous>, transform_indices = @transform_12, window_bounds = array<i64: 1, 128>}, {pipeline_mode = #tpu.pipeline_mode<synchronous>, transform_indices = @transform_13, window_bounds = array<i64: 1, 128>}, {pipeline_mode = #tpu.pipeline_mode<synchronous>, transform_indices = @transform_14, window_bounds = array<i64: 128, 128>}, {pipeline_mode = #tpu.pipeline_mode<synchronous>, transform_indices = @transform_15, window_bounds = array<i64: 1, 128>}, {transform_indices = @transform_16, window_bounds = array<i64: 1000, 128>}]} {
    %get3A = arith.constant 0 : index
    %get3A_0 = arith.constant 0 : index
    %get3A_1 = arith.constant 0 : index
    %get3A_2 = vector.load %arg2[%get3A, %get3A_0, %get3A_1] : memref<1x1000x16xf32, #tpu.memory_space<vmem>>, vector<1x1000x16xf32>
    %get3A_3 = vector.shape_cast %get3A_2 : vector<1x1000x16xf32> to vector<1000x16xf32>
    %get3A_4 = arith.constant 0 : index
    %get3A_5 = arith.constant 0 : index
    %get3A_6 = arith.constant 0 : index
    %get3A_7 = vector.load %arg3[%get3A_4, %get3A_5, %get3A_6] : memref<1x1000x16xf32, #tpu.memory_space<vmem>>, vector<1x1000x16xf32>
    %get3A_8 = vector.shape_cast %get3A_7 : vector<1x1000x16xf32> to vector<1000x16xf32>
    %add3A = arith.addf %get3A_3, %get3A_8 : vector<1000x16xf32>
    %get3A_9 = arith.constant 0 : index
    %get3A_10 = arith.constant 0 : index
    %get3A_11 = vector.load %arg1[%get3A_9, %get3A_10] : memref<1000x128xf32, #tpu.memory_space<vmem>>, vector<1000x128xf32>
    %get3A_12 = arith.constant 0 : index
    %get3A_13 = arith.constant 0 : index
    %get3A_14 = vector.load %arg5[%get3A_12, %get3A_13] : memref<128x128xf32, #tpu.memory_space<vmem>>, vector<128x128xf32>
    %dot_general3A = arith.constant dense<0.000000e+00> : vector<1000x128xf32>
    %dot_general3A_15 = tpu.matmul %get3A_11, %get3A_14, %dot_general3A {dimension_numbers = #tpu.dot_dimension_numbers<[1], [0], [0], [1], [0, 0, 1, 1], [], []>, transpose_lhs_hint = false} : vector<1000x128xf32>, vector<128x128xf32>, vector<1000x128xf32> -> vector<1000x128xf32>
    %get3A_16 = arith.constant 0 : index
    %get3A_17 = arith.constant 0 : index
    %get3A_18 = vector.load %arg6[%get3A_16, %get3A_17] : memref<16x128xf32, #tpu.memory_space<vmem>>, vector<16x128xf32>
    %dot_general3A_19 = arith.constant dense<0.000000e+00> : vector<1000x128xf32>
    %dot_general3A_20 = tpu.matmul %add3A, %get3A_18, %dot_general3A_19 {dimension_numbers = #tpu.dot_dimension_numbers<[1], [0], [0], [1], [0, 0, 1, 1], [], []>, transpose_lhs_hint = false} : vector<1000x16xf32>, vector<16x128xf32>, vector<1000x128xf32> -> vector<1000x128xf32>
    %add3A_21 = arith.addf %dot_general3A_15, %dot_general3A_20 : vector<1000x128xf32>
    %get3A_22 = arith.constant 0 : index
    %get3A_23 = arith.constant 0 : index
    %get3A_24 = vector.load %arg4[%get3A_22, %get3A_23] : memref<1x16xf32, #tpu.memory_space<vmem>>, vector<1x16xf32>
    %get3A_25 = arith.constant 0 : index
    %get3A_26 = arith.constant 0 : index
    %get3A_27 = vector.load %arg7[%get3A_25, %get3A_26] : memref<16x128xf32, #tpu.memory_space<vmem>>, vector<16x128xf32>
    %dot_general3A_28 = arith.constant dense<0.000000e+00> : vector<1x128xf32>
    %dot_general3A_29 = tpu.matmul %get3A_24, %get3A_27, %dot_general3A_28 {dimension_numbers = #tpu.dot_dimension_numbers<[1], [0], [0], [1], [0, 0, 1, 1], [], []>, transpose_lhs_hint = false} : vector<1x16xf32>, vector<16x128xf32>, vector<1x128xf32> -> vector<1x128xf32>
    %add3A_30 = vector.broadcast %dot_general3A_29 : vector<1x128xf32> to vector<1000x128xf32>
    %add3A_31 = arith.addf %add3A_21, %add3A_30 : vector<1000x128xf32>
    %get3A_32 = arith.constant 0 : index
    %get3A_33 = arith.constant 0 : index
    %get3A_34 = vector.load %arg8[%get3A_32, %get3A_33] : memref<1x128xf32, #tpu.memory_space<vmem>>, vector<1x128xf32>
    %add3A_35 = vector.broadcast %get3A_34 : vector<1x128xf32> to vector<1000x128xf32>
    %add3A_36 = arith.addf %add3A_31, %add3A_35 : vector<1000x128xf32>
    %max3A = arith.constant 0.000000e+00 : f32
    %max3A_37 = vector.broadcast %max3A : f32 to vector<1000x128xf32>
    %max3A_38 = arith.maximumf %add3A_36, %max3A_37 : vector<1000x128xf32>
    %reduce_sum3A = arith.constant dense<0.000000e+00> : vector<1000xf32>
    %reduce_sum3A_39 = vector.multi_reduction <add>, %max3A_38, %reduce_sum3A [1] : vector<1000x128xf32> to vector<1000xf32>
    %broadcast_in_dim3A = vector.shape_cast %reduce_sum3A_39 : vector<1000xf32> to vector<1000x1xf32>
    %div3A = arith.constant 1.280000e+02 : f32
    %div3A_40 = vector.broadcast %div3A : f32 to vector<1000x1xf32>
    %div3A_41 = arith.divf %broadcast_in_dim3A, %div3A_40 : vector<1000x1xf32>
    %sub3A = vector.broadcast %div3A_41 : vector<1000x1xf32> to vector<1000x128xf32>
    %sub3A_42 = arith.subf %max3A_38, %sub3A : vector<1000x128xf32>
    %integer_pow3A = arith.mulf %sub3A_42, %sub3A_42 : vector<1000x128xf32>
    %reduce_sum3A_43 = arith.constant dense<0.000000e+00> : vector<1000xf32>
    %reduce_sum3A_44 = vector.multi_reduction <add>, %integer_pow3A, %reduce_sum3A_43 [1] : vector<1000x128xf32> to vector<1000xf32>
    %broadcast_in_dim3A_45 = vector.shape_cast %reduce_sum3A_44 : vector<1000xf32> to vector<1000x1xf32>
    %div3A_46 = arith.constant 1.280000e+02 : f32
    %div3A_47 = vector.broadcast %div3A_46 : f32 to vector<1000x1xf32>
    %div3A_48 = arith.divf %broadcast_in_dim3A_45, %div3A_47 : vector<1000x1xf32>
    %sub3A_49 = vector.broadcast %div3A_41 : vector<1000x1xf32> to vector<1000x128xf32>
    %sub3A_50 = arith.subf %max3A_38, %sub3A_49 : vector<1000x128xf32>
    %add3A_51 = arith.constant 9.99999974E-6 : f32
    %add3A_52 = vector.broadcast %add3A_51 : f32 to vector<1000x1xf32>
    %add3A_53 = arith.addf %div3A_48, %add3A_52 : vector<1000x1xf32>
    %sqrt3A = math.sqrt %add3A_53 : vector<1000x1xf32>
    %div3A_54 = vector.broadcast %sqrt3A : vector<1000x1xf32> to vector<1000x128xf32>
    %div3A_55 = arith.divf %sub3A_50, %div3A_54 : vector<1000x128xf32>
    %get3A_56 = arith.constant 0 : index
    %get3A_57 = arith.constant 0 : index
    %get3A_58 = vector.load %arg9[%get3A_56, %get3A_57] : memref<1x128xf32, #tpu.memory_space<vmem>>, vector<1x128xf32>
    %mul3A = vector.broadcast %get3A_58 : vector<1x128xf32> to vector<1000x128xf32>
    %mul3A_59 = arith.mulf %div3A_55, %mul3A : vector<1000x128xf32>
    %get3A_60 = arith.constant 0 : index
    %get3A_61 = arith.constant 0 : index
    %get3A_62 = vector.load %arg10[%get3A_60, %get3A_61] : memref<1x128xf32, #tpu.memory_space<vmem>>, vector<1x128xf32>
    %add3A_63 = vector.broadcast %get3A_62 : vector<1x128xf32> to vector<1000x128xf32>
    %add3A_64 = arith.addf %mul3A_59, %add3A_63 : vector<1000x128xf32>
    %get3A_65 = arith.constant 0 : index
    %get3A_66 = arith.constant 0 : index
    %get3A_67 = vector.load %arg11[%get3A_65, %get3A_66] : memref<128x128xf32, #tpu.memory_space<vmem>>, vector<128x128xf32>
    %dot_general3A_68 = arith.constant dense<0.000000e+00> : vector<1000x128xf32>
    %dot_general3A_69 = tpu.matmul %add3A_64, %get3A_67, %dot_general3A_68 {dimension_numbers = #tpu.dot_dimension_numbers<[1], [0], [0], [1], [0, 0, 1, 1], [], []>, transpose_lhs_hint = false} : vector<1000x128xf32>, vector<128x128xf32>, vector<1000x128xf32> -> vector<1000x128xf32>
    %get3A_70 = arith.constant 0 : index
    %get3A_71 = arith.constant 0 : index
    %get3A_72 = vector.load %arg12[%get3A_70, %get3A_71] : memref<1x128xf32, #tpu.memory_space<vmem>>, vector<1x128xf32>
    %add3A_73 = vector.broadcast %get3A_72 : vector<1x128xf32> to vector<1000x128xf32>
    %add3A_74 = arith.addf %dot_general3A_69, %add3A_73 : vector<1000x128xf32>
    %max3A_75 = arith.constant 0.000000e+00 : f32
    %max3A_76 = vector.broadcast %max3A_75 : f32 to vector<1000x128xf32>
    %max3A_77 = arith.maximumf %add3A_74, %max3A_76 : vector<1000x128xf32>
    %reduce_sum3A_78 = arith.constant dense<0.000000e+00> : vector<1000xf32>
    %reduce_sum3A_79 = vector.multi_reduction <add>, %max3A_77, %reduce_sum3A_78 [1] : vector<1000x128xf32> to vector<1000xf32>
    %broadcast_in_dim3A_80 = vector.shape_cast %reduce_sum3A_79 : vector<1000xf32> to vector<1000x1xf32>
    %div3A_81 = arith.constant 1.280000e+02 : f32
    %div3A_82 = vector.broadcast %div3A_81 : f32 to vector<1000x1xf32>
    %div3A_83 = arith.divf %broadcast_in_dim3A_80, %div3A_82 : vector<1000x1xf32>
    %sub3A_84 = vector.broadcast %div3A_83 : vector<1000x1xf32> to vector<1000x128xf32>
    %sub3A_85 = arith.subf %max3A_77, %sub3A_84 : vector<1000x128xf32>
    %integer_pow3A_86 = arith.mulf %sub3A_85, %sub3A_85 : vector<1000x128xf32>
    %reduce_sum3A_87 = arith.constant dense<0.000000e+00> : vector<1000xf32>
    %reduce_sum3A_88 = vector.multi_reduction <add>, %integer_pow3A_86, %reduce_sum3A_87 [1] : vector<1000x128xf32> to vector<1000xf32>
    %broadcast_in_dim3A_89 = vector.shape_cast %reduce_sum3A_88 : vector<1000xf32> to vector<1000x1xf32>
    %div3A_90 = arith.constant 1.280000e+02 : f32
    %div3A_91 = vector.broadcast %div3A_90 : f32 to vector<1000x1xf32>
    %div3A_92 = arith.divf %broadcast_in_dim3A_89, %div3A_91 : vector<1000x1xf32>
    %sub3A_93 = vector.broadcast %div3A_83 : vector<1000x1xf32> to vector<1000x128xf32>
    %sub3A_94 = arith.subf %max3A_77, %sub3A_93 : vector<1000x128xf32>
    %add3A_95 = arith.constant 9.99999974E-6 : f32
    %add3A_96 = vector.broadcast %add3A_95 : f32 to vector<1000x1xf32>
    %add3A_97 = arith.addf %div3A_92, %add3A_96 : vector<1000x1xf32>
    %sqrt3A_98 = math.sqrt %add3A_97 : vector<1000x1xf32>
    %div3A_99 = vector.broadcast %sqrt3A_98 : vector<1000x1xf32> to vector<1000x128xf32>
    %div3A_100 = arith.divf %sub3A_94, %div3A_99 : vector<1000x128xf32>
    %get3A_101 = arith.constant 0 : index
    %get3A_102 = arith.constant 0 : index
    %get3A_103 = vector.load %arg13[%get3A_101, %get3A_102] : memref<1x128xf32, #tpu.memory_space<vmem>>, vector<1x128xf32>
    %mul3A_104 = vector.broadcast %get3A_103 : vector<1x128xf32> to vector<1000x128xf32>
    %mul3A_105 = arith.mulf %div3A_100, %mul3A_104 : vector<1000x128xf32>
    %get3A_106 = arith.constant 0 : index
    %get3A_107 = arith.constant 0 : index
    %get3A_108 = vector.load %arg14[%get3A_106, %get3A_107] : memref<1x128xf32, #tpu.memory_space<vmem>>, vector<1x128xf32>
    %add3A_109 = vector.broadcast %get3A_108 : vector<1x128xf32> to vector<1000x128xf32>
    %add3A_110 = arith.addf %mul3A_105, %add3A_109 : vector<1000x128xf32>
    %get3A_111 = arith.constant 0 : index
    %get3A_112 = arith.constant 0 : index
    %get3A_113 = vector.load %arg15[%get3A_111, %get3A_112] : memref<128x128xf32, #tpu.memory_space<vmem>>, vector<128x128xf32>
    %dot_general3A_114 = arith.constant dense<0.000000e+00> : vector<1000x128xf32>
    %dot_general3A_115 = tpu.matmul %add3A_110, %get3A_113, %dot_general3A_114 {dimension_numbers = #tpu.dot_dimension_numbers<[1], [0], [0], [1], [0, 0, 1, 1], [], []>, transpose_lhs_hint = false} : vector<1000x128xf32>, vector<128x128xf32>, vector<1000x128xf32> -> vector<1000x128xf32>
    %get3A_116 = arith.constant 0 : index
    %get3A_117 = arith.constant 0 : index
    %get3A_118 = vector.load %arg16[%get3A_116, %get3A_117] : memref<1x128xf32, #tpu.memory_space<vmem>>, vector<1x128xf32>
    %add3A_119 = vector.broadcast %get3A_118 : vector<1x128xf32> to vector<1000x128xf32>
    %add3A_120 = arith.addf %dot_general3A_115, %add3A_119 : vector<1000x128xf32>
    %swap3A = arith.constant 0 : index
    %swap3A_121 = arith.constant 0 : index
    %swap3A_122 = vector.load %arg17[%swap3A, %swap3A_121] : memref<1000x128xf32, #tpu.memory_space<vmem>>, vector<1000x128xf32>
    tpu.vector_store %arg17[%swap3A, %swap3A_121], %add3A_120 {strides = array<i32>} : memref<1000x128xf32, #tpu.memory_space<vmem>>, vector<1000x128xf32>,
    return
  }
  func.func @transform_0(%arg0: i32) -> (i32, i32) {
    %c0_i32 = arith.constant 0 : i32
    %c0_i32_0 = arith.constant 0 : i32
    return %arg0, %c0_i32 : i32, i32
  }
  func.func @transform_1(%arg0: i32) -> (i32, i32, i32) {
    %c0_i32 = arith.constant 0 : i32
    %c0_i32_0 = arith.constant 0 : i32
    %c0_i32_1 = arith.constant 0 : i32
    return %c0_i32, %arg0, %c0_i32_0 : i32, i32, i32
  }
  func.func @transform_2(%arg0: i32) -> (i32, i32, i32) {
    %c1_i32 = arith.constant 1 : i32
    %c0_i32 = arith.constant 0 : i32
    %c0_i32_0 = arith.constant 0 : i32
    return %c1_i32, %arg0, %c0_i32 : i32, i32, i32
  }
  func.func @transform_3(%arg0: i32) -> (i32, i32) {
    %c0_i32 = arith.constant 0 : i32
    %c0_i32_0 = arith.constant 0 : i32
    %c0_i32_1 = arith.constant 0 : i32
    return %c0_i32, %c0_i32_0 : i32, i32
  }
  func.func @transform_4(%arg0: i32) -> (i32, i32) {
    %c0_i32 = arith.constant 0 : i32
    %c0_i32_0 = arith.constant 0 : i32
    %c0_i32_1 = arith.constant 0 : i32
    return %c0_i32, %c0_i32_0 : i32, i32
  }
  func.func @transform_5(%arg0: i32) -> (i32, i32) {
    %c0_i32 = arith.constant 0 : i32
    %c0_i32_0 = arith.constant 0 : i32
    %c0_i32_1 = arith.constant 0 : i32
    return %c0_i32, %c0_i32_0 : i32, i32
  }
  func.func @transform_6(%arg0: i32) -> (i32, i32) {
    %c0_i32 = arith.constant 0 : i32
    %c0_i32_0 = arith.constant 0 : i32
    %c0_i32_1 = arith.constant 0 : i32
    return %c0_i32, %c0_i32_0 : i32, i32
  }
  func.func @transform_7(%arg0: i32) -> (i32, i32) {
    %c0_i32 = arith.constant 0 : i32
    %c0_i32_0 = arith.constant 0 : i32
    %c0_i32_1 = arith.constant 0 : i32
    return %c0_i32, %c0_i32_0 : i32, i32
  }
  func.func @transform_8(%arg0: i32) -> (i32, i32) {
    %c0_i32 = arith.constant 0 : i32
    %c0_i32_0 = arith.constant 0 : i32
    %c0_i32_1 = arith.constant 0 : i32
    return %c0_i32, %c0_i32_0 : i32, i32
  }
  func.func @transform_9(%arg0: i32) -> (i32, i32) {
    %c0_i32 = arith.constant 0 : i32
    %c0_i32_0 = arith.constant 0 : i32
    %c0_i32_1 = arith.constant 0 : i32
    return %c0_i32, %c0_i32_0 : i32, i32
  }
  func.func @transform_10(%arg0: i32) -> (i32, i32) {
    %c0_i32 = arith.constant 0 : i32
    %c0_i32_0 = arith.constant 0 : i32
    %c0_i32_1 = arith.constant 0 : i32
    return %c0_i32, %c0_i32_0 : i32, i32
  }
  func.func @transform_11(%arg0: i32) -> (i32, i32) {
    %c0_i32 = arith.constant 0 : i32
    %c0_i32_0 = arith.constant 0 : i32
    %c0_i32_1 = arith.constant 0 : i32
    return %c0_i32, %c0_i32_0 : i32, i32
  }
  func.func @transform_12(%arg0: i32) -> (i32, i32) {
    %c0_i32 = arith.constant 0 : i32
    %c0_i32_0 = arith.constant 0 : i32
    %c0_i32_1 = arith.constant 0 : i32
    return %c0_i32, %c0_i32_0 : i32, i32
  }
  func.func @transform_13(%arg0: i32) -> (i32, i32) {
    %c0_i32 = arith.constant 0 : i32
    %c0_i32_0 = arith.constant 0 : i32
    %c0_i32_1 = arith.constant 0 : i32
    return %c0_i32, %c0_i32_0 : i32, i32
  }
  func.func @transform_14(%arg0: i32) -> (i32, i32) {
    %c0_i32 = arith.constant 0 : i32
    %c0_i32_0 = arith.constant 0 : i32
    %c0_i32_1 = arith.constant 0 : i32
    return %c0_i32, %c0_i32_0 : i32, i32
  }
  func.func @transform_15(%arg0: i32) -> (i32, i32) {
    %c0_i32 = arith.constant 0 : i32
    %c0_i32_0 = arith.constant 0 : i32
    %c0_i32_1 = arith.constant 0 : i32
    return %c0_i32, %c0_i32_0 : i32, i32
  }
  func.func @transform_16(%arg0: i32) -> (i32, i32) {
    %c0_i32 = arith.constant 0 : i32
    %c0_i32_0 = arith.constant 0 : i32
    return %arg0, %c0_i32 : i32, i32
  }
}

</mosaic_0001>

<sc_bundles>
// kernel: kernel.4.cloned.1.call-start
scs
__scs_entry_jumppad:
0x0: {  	(pc) =	sbr.rel $0x88, $3  }
0x1: {  	(tag) =	ssettag $0x0;
	lr =	simm.s32 $0x1  }
0x2: {  	[smem:$0x3F93] =	sst lr;
	_ =	strace $0xD0000000  }
0x3: {  	_ = 	snop  }
0x4: {  	_ = 	snop  }
0x5: {  	_ = 	snop  }
0x6: {  	_ = 	snop  }
0x7: {  	_ = 	snop  }
__scs_overlays_trampoline_lowered:
0x8: {  	[smem:$0x3FA2] =	sst s0  }
0x9: {  	[smem:$0x3FA3] =	sst s1  }
0xa: {  	[smem:$0x3FA4] =	sst s2  }
0xb: {  	[smem:$0x3FA5] =	sst s3  }
0xc: {  	[smem:$0x3FA6] =	sst s4  }
0xd: {  	[smem:$0x3FA7] =	sst s5  }
0xe: {  	[smem:$0x3FA8] =	sst s6  }
0xf: {  	[smem:$0x3FA9] =	sst s7  }
0x10: {  	[smem:$0x3FAA] =	sst s8  }
0x11: {  	[smem:$0x3FAB] =	sst s9;
	s0 =	simm.s32 @!p0 $0x0  }
0x12: {  	s1 =	sld [smem:$0x3F91];
	s0 =	simm.s32 @p0 $0x1  }
0x13: {  	[smem:$0x3FAC] =	sst s0;
	s0 =	simm.s32 @!p1 $0x0  }
0x14: {  	s2 =	sld [smem:$0x3F90];
	s0 =	simm.s32 @p1 $0x1  }
0x15: {  	[smem:$0x3FAD] =	sst s0;
	s0 =	simm.s32 @!p2 $0x0  }
0x16: {  	s3 =	sld [smem:$0x3FDB];
	s0 =	simm.s32 @p2 $0x1  }
0x17: {  	s4 =	simm.s32 $0x1BF5;
	[smem:$0x3FAF] =	sst s0  }
0x18: {  	s0 =	sld [smem:$0x3F92];
	_ =	swait.ge [sflag:s4], $0x0  }
0x19: {  	s7 =	sld [smem:$0x3F93]  }
0x1a: {  	s8 =	sadd.s32 $0xFFFFE003, lr  }
0x1b: {  	s9 =	sadd.s32 $0xFFFFFEF7, lr;
	s5 =	simm.s32 $0xFFFFFFFF;
	p2 =	slt.u32 s8, $0xFFFFF086  }
0x1c: {  	p1 =	slt.u32 s9, $0xF7A;
	s5 =	simm.s32 @!p2 $0x0  }
0x1d: {  	s5 =	simm.s32 @p1 $0x1;
	p0 =	seq.s32 s7, s2  }
0x1e: {  	s7 =	smul.u32 @!p0 $0xF7A, s2;
	p2 =	seq.s32 @!p0 s5, $0x0  }
0x1f: {  	s9 =	smul.u32 $0xF7A, s1;
	s8 =	simm.s32 @!p0 $0x1BF5;
	p2 =	por !p2, p0  }
0x20: {  	[sflag:s8] =	ssyncset.s32 @!p0 $0xFFFFF086;
	s6 =	sadd.s32 @!p0 s3, s7;
	s7 =	simm.s32 @!p0 $0x108  }
0x21: {  	s3 =	sadd.s32 s3, s9;
	s6 =	sadd.s32 @!p0 $0x88, s6;
	s7 =	simm.s32 @p2 $0x1082  }
0x22: {  	[simem:s7], [sflag:s8] =	dma.local @!p0 [hbm:s6], $0xF7A  }
0x23: {  	s9 =	sor.u32 $0xD0000000, s2;
	s6 =	simm.s32 $0x108;
	_ =	swait.ge @!p0 [sflag:s8], $0x0  }
0x24: {  	s3 =	sadd.s32 $0x88, s3;
	s6 =	simm.s32 @!p1 $0x1082;
	[sflag:s4] =	ssyncset.s32 $0xFFFFF086  }
0x25: {  	[simem:s6], [sflag:s4] =	dma.local [hbm:s3], $0xF7A  }
0x26: {  	[smem:$0x3F93] =	sst s1;
	(tag) =	ssettag s2;
	_ =	strace s9  }
0x27: {  	s1 =	sld [smem:$0x3FA3]  }
0x28: {  	s2 =	sld [smem:$0x3FA4]  }
0x29: {  	s4 =	sld [smem:$0x3FA6]  }
0x2a: {  	p0 =	seq.s32 s5, $0x0;
	s5 =	sld [smem:$0x3FA7]  }
0x2b: {  	s6 =	sld [smem:$0x3FA8]  }
0x2c: {  	s7 =	sld [smem:$0x3FA9]  }
0x2d: {  	s3 =	simm.s32 $0x108;
	s8 =	sld [smem:$0x3FAA]  }
0x2e: {  	s3 =	simm.s32 @!p0 $0x1082;
	s9 =	sld [smem:$0x3FAB]  }
0x2f: {  	lr =	sadd.s32 s0, s3;
	s0 =	sld [smem:$0x3FA2]  }
0x30: {  	s3 =	sld [smem:$0x3FA5]  }
0x31: {  	[smem:$0x3FAE] =	sst s10  }
0x32: {  	s10 =	sld [smem:$0x3FAC];
	_ =	sdelay $0x3  }
0x33: {  	p0 =	seq.s32 s10, $0x1;
	s10 =	sld [smem:$0x3FAE];
	_ =	sdelay $0x3  }
0x34: {  	[smem:$0x3FAE] =	sst s10  }
0x35: {  	s10 =	sld [smem:$0x3FAD];
	_ =	sdelay $0x3  }
0x36: {  	p1 =	seq.s32 s10, $0x1;
	s10 =	sld [smem:$0x3FAE];
	_ =	sdelay $0x3  }
0x37: {  	[smem:$0x3FAE] =	sst s10  }
0x38: {  	s10 =	sld [smem:$0x3FAF]  }
0x39: {  	_ = 	snop;
	(pc) =	sbr.ind lr, $3  }
0x3a: {  	_ = 	snop  }
0x3b: {  	_ = 	snop  }
0x3c: {  	p2 =	seq.s32 s10, $0x1;
	s10 =	sld [smem:$0x3FAE]  }
0x3d: {  	_ =	shalt  }
0x3e: {  	_ =	shalt  }
0x3f: {  	_ =	shalt  }
0x40: {  	_ =	shalt  }
0x41: {  	_ =	shalt  }
0x42: {  	_ =	shalt  }
0x43: {  	_ =	shalt  }
0x44: {  	_ =	shalt  }
0x45: {  	_ =	shalt  }
0x46: {  	_ =	shalt  }
0x47: {  	_ =	shalt  }
0x48: {  	_ =	shalt  }
0x49: {  	_ =	shalt  }
0x4a: {  	_ =	shalt  }
0x4b: {  	_ =	shalt  }
0x4c: {  	_ =	shalt  }
0x4d: {  	_ =	shalt  }
0x4e: {  	_ =	shalt  }
0x4f: {  	_ =	shalt  }
0x50: {  	_ =	shalt  }
0x51: {  	_ =	shalt  }
0x52: {  	_ =	shalt  }
0x53: {  	_ =	shalt  }
0x54: {  	_ =	shalt  }
0x55: {  	_ =	shalt  }
0x56: {  	_ =	shalt  }
0x57: {  	_ =	shalt  }
0x58: {  	_ =	shalt  }
0x59: {  	_ =	shalt  }
0x5a: {  	_ =	shalt  }
0x5b: {  	_ =	shalt  }
0x5c: {  	_ =	shalt  }
0x5d: {  	_ =	shalt  }
0x5e: {  	_ =	shalt  }
0x5f: {  	_ =	shalt  }
0x60: {  	_ =	shalt  }
0x61: {  	_ =	shalt  }
0x62: {  	_ =	shalt  }
0x63: {  	_ =	shalt  }
0x64: {  	_ =	shalt  }
0x65: {  	_ =	shalt  }
0x66: {  	_ =	shalt  }
0x67: {  	_ =	shalt  }
0x68: {  	_ =	shalt  }
0x69: {  	_ =	shalt  }
0x6a: {  	_ =	shalt  }
0x6b: {  	_ =	shalt  }
0x6c: {  	_ =	shalt  }
0x6d: {  	_ =	shalt  }
0x6e: {  	_ =	shalt  }
0x6f: {  	_ =	shalt  }
0x70: {  	_ =	shalt  }
0x71: {  	_ =	shalt  }
0x72: {  	_ =	shalt  }
0x73: {  	_ =	shalt  }
0x74: {  	_ =	shalt  }
0x75: {  	_ =	shalt  }
0x76: {  	_ =	shalt  }
0x77: {  	_ =	shalt  }
0x78: {  	_ =	shalt  }
0x79: {  	_ =	shalt  }
0x7a: {  	_ =	shalt  }
0x7b: {  	_ =	shalt  }
0x7c: {  	_ =	shalt  }
0x7d: {  	_ =	shalt  }
0x7e: {  	_ =	shalt  }
0x7f: {  	_ =	shalt  }
0x80: {  	_ =	shalt  }
0x81: {  	_ =	shalt  }
0x82: {  	_ =	shalt  }
0x83: {  	_ =	shalt  }
0x84: {  	_ =	shalt  }
0x85: {  	_ =	shalt  }
0x86: {  	_ =	shalt  }
0x87: {  	_ =	shalt  }
.Lfunc_end0:
.L_simem_size_0:
called_computation_lowered:
.L_overlay_start_0:
0x88: {  	s2 =	sld [smem:$0x3FD9]  }
0x89: {  	s3 =	sld [smem:$0x3FFE];
	_ =	sdelay $0x1  }
0x8a: {  	s1 =	srdreg.scid  }
0x8b: {  	s0 =	sand.u32 $0x1, s1  }
0x8c: {  	s17 =	sshll.u32 s0, $0xA;
	s2 =	sadd.s32 s3, s2  }
0x8d: {  	s2 =	sadd.s32 s2, s17  }
0x8e: {  	[smem:$0x3FBA] =	sst s2  }
0x8f: {  	_ = 	snop  }
0x90: {  	s2 =	sld [smem:$0x3FD0];
	(tm) =	ssettm $0x1  }
0x91: {  	s18 =	sld [smem:$0x3FFB];
	_ =	sdelay $0x3  }
0x92: {  	_ =	strace s18  }
0x93: {  	s3 =	sld [smem:$0x3FFC];
	_ =	sdelay $0x3  }
0x94: {  	_ =	strace s3  }
0x95: {  	s3 =	sld [smem:$0x3FFD];
	_ =	sdelay $0x3  }
0x96: {  	_ =	strace s3  }
0x97: {  	_ =	strace $0x8FFFFFFF  }
0x98: {  	s19 =	sld [smem:$0x3FDB];
	_ =	sdelay $0x1  }
0x99: {  	s4 =	simm.s32 $_scs_section_size  }
0x9a: {  	s5 =	simm.s32 $_size__tile_overlayer_lowered;
	s6 =	simm.s32 $_tile_overlayer_lowered  }
0x9b: {  	s22 =	simm.s32 $0x1BFF;
	s21 =	sshll.u32 s6, $0x1;
	s3 =	sadd.s32 s4, s19  }
0x9c: {  	s7 =	simm.s32 $0x0;
	s20 =	sshll.u32 s5, $0x1;
	s5 =	sadd.s32 s21, s3  }
0x9d: {  	[timem:s7], [sflag:s22] =	dma.local [hbm:s5], s20  }
0x9e: {  	_ =	swait.ge [sflag:s22], s20  }
0x9f: {  	s4 =	ssub.s32 $0x0, s20;
	[sflag:s22] =	ssyncset.done $0x0  }
0xa0: {  	[sflag:s22] =	ssyncadd.s32 s4;
	_ =	sdelay $0x1  }
0xa1: {  	s23 =	simm.s32 $0x1B8B  }
0xa2: {  	_ =	swait.ge [sflag:s23], $0x1  }
0xa3: {  	[sflag:s23] =	ssyncset.done $0x0  }
0xa4: {  	s25 =	simm.s32 $0x1B8E;
	s24 =	sld [smem:$0x3FFE];
	[sflag:s23] =	ssyncadd.s32 $0xFFFFFFFF  }
0xa5: {  	s26 =	simm.s32 $execute0_lowered;
	[smem:$0x3FD2] =	sst s25  }
0xa6: {  	s5 =	sshll.u32 s26, $0x1;
	_ =	strace $0x80000046;
	[dreg:$0x1] =	wrdreg $0xFFFFFFFF  }
0xa7: {  	s28 =	simm.s32 $_size_execute0_lowered;
	s3 =	sadd.s32 s3, s5;
	[dreg:$0x0] =	wrdreg $0x0  }
0xa8: {  	s5 =	sshll.u32 s28, $0x1;
	[dreg:$0x2] =	wrdreg s3  }
0xa9: {  	[dreg:$0x3] =	wrdreg s5  }
0xaa: {  	[dreg:$0x4] =	wrdreg $0xC0  }
0xab: {  	_ =	task [dreg:s7], $0x5FFFF  }
0xac: {  	[dreg:$0x1] =	wrdreg $0xFFFFFFFF  }
0xad: {  	[dreg:$0x0] =	wrdreg $0x60  }
0xae: {  	[dreg:$0x2] =	wrdreg s24  }
0xaf: {  	[dreg:$0x3] =	wrdreg s2  }
0xb0: {  	[dreg:$0x4] =	wrdreg $0x0  }
0xb1: {  	[dreg:$0x5] =	wrdreg $0x9  }
0xb2: {  	_ =	task.clear_ibuf [dreg:s7], $0x6FFFF;
	_ =	strace $0x90000046  }
0xb3: {  	s29 =	simm.s32 $0x9;
	_ =	strace $0x80000048  }
0xb4: {  	_ =	swait.ge [sflag:s29], $0x1  }
0xb5: {  	[sflag:s29] =	ssyncadd.s32 $0xFFFFFFFF  }
0xb6: {  	_ =	strace $0x90000048  }
0xb7: {  	_ =	sfence  }
0xb8: {  	s30 =	sld [smem:$0x0];
	_ =	sdelay $0x2  }
0xb9: {  	s31 =	sshll.u32 s1, $0xD;
	s1 =	sshrl.u32 s1, $0x2  }
0xba: {  	s3 =	sand.u32 $0x4000, s31;
	s1 =	sadd.s32 s1, s30  }
0xbb: {  	s0 =	sor.u32 s3, s0;
	s1 =	sshll.u32 s1, $0x11  }
0xbc: {  	s0 =	sor.u32 s1, s0  }
0xbd: {  	s0 =	sadd.s32 $0x8F2B, s0  }
0xbe: {  	[sflag:s0] =	ssyncadd.remote.s32 $0x1  }
0xbf: {  	_ =	sfence.sel $0xFFFF  }
0xc0: {  	[dreg:$0x0] =	wrdreg $0xFFFFFFFF;
	(pc) =	sbr.abs _section_cstart, $3  }
0xc1: {  	[dreg:$0x1] =	wrdreg $0xFFFFFFFF  }
0xc2: {  	_ =	task.clear_ibuf [dreg:s7], $0x2FFFF;
	_ =	strace $0x9FFFFFFF  }
0xc3: {  	(tm) =	ssettm $0x7FFFFFFF  }
tec
execute0_lowered:
.L_overlay_start_1:
0x0: {  	(tag) =	ssettag $0x1  }
0x1: {  	s5 =	rddreg [dreg:$0x0]  }
0x2: {  	s15 =	rddreg [dreg:$0x1]  }
0x3: {  	s1 =	rddreg [dreg:$0x2];
	s2 =	srdreg.scid  }
0x4: {  	s3 =	simm.s32 $0x0;
	s24 =	stileid.u32;
	s21 =	simm.s32 $0x2800  }
0x5: {  	s22 =	simm.s32 $0x3080;
	s23 =	simm.s32 $0x1;
	s14 =	smul.u32 $0x2780, s24  }
0x6: {  	s28 =	simm.s32 $0x0;
	s12 =	sand.u32 $0x1, s2;
	s20 =	smul.u32 $0x4E, s24  }
0x7: {  	[smem:$0x7FF] =	sst s3;
	s4 =	sshll.u32 s12, $0x4;
	s18 =	smul.u32 $0x27800, s12  }
0x8: {  	_ =	strace $0x80000047;
	s19 =	smul.u32 $0x4E0, s12;
	s25 =	sor.u32 s24, s4  }
0x9: {  	s6 =	ssub.s32 $0x2, s12;
	s4 =	sadd.s32 $0x2200, s5;
	s13 =	smul.u32 $0x4E, s25  }
0xa: {  	s5 =	sadd.s32 $0x4E4200, s5;
	s8 =	sshrl.u32 s6, $0x1;
	s7 =	smul.u32 $0x2700, s25  }
0xb: {  	s24 =	simm.s32 $0x80;
	s9 =	smul.u32 $0x4E0, s25;
	s16 =	ssub.s32 s6, s8  }
0xc: {  	s10 =	smul.u32 $0x4E00, s25;
	s6 =	sadd.s32 s14, s1;
	s26 =	sshll.u32 s25, $0x7  }
0xd: {  	s18 =	sadd.s32 s14, s18;
	s31 =	sadd.s32 s20, s19;
	s19 =	simm.s32 $0x2780  }
0xe: {  	s20 =	simm.s32 $0x2880;
	p0 =	sgt.u32 s25, $0x3;
	s25 =	simm.s32 $0x3  }
0xf: {  	s30 =	sshrl.u32 s18, $0x3;
	s16 =	smax.u32 s16, $0x1;
	[dreg:$0x4] =	wrdreg s31  }
0x10: {  	s18 =	simm.s32 $0x4;
	s11 =	sor.u32 $0x80, s7;
	s0 =	sadd.s32 $0x4C, s13  }
0x11: {  	s8 =	sadd.s32 s4, s9;
	s9 =	sadd.s32 s5, s10;
	s12 =	sadd.s32 $0x4D, s13  }
0x12: {  	s15 =	sadd.s32 s15, s30;
	s17 =	sshrl.u32 s11, $0x3;
	s11 =	sshll.u32 s11, $0x1  }
0x13: {  	s10 =	sadd.s32 s4, s17;
	s11 =	sadd.s32 s5, s11;
	s17 =	sor.u32 $0x4E000, s26  }
0x14: {  	s26 =	simm.s32 $0x2;
	s29 =	sshrl.u32 s17, $0x3;
	s17 =	sshll.u32 s17, $0x1  }
0x15: {  	v0 =	vimm.f32 $0.0e+00;
	s13 =	sadd.s32 s4, s29;
	s14 =	sadd.s32 s5, s17;
	s17 =	simm.s32 $0x3880  }
.LBB2_1:
0x16: {  	s29 =	simm.s32 $0x40;
	s30 =	simm.s32 $0x0  }
.LBB2_2:
0x17: {  	p1 =	sne.s32 s29, $0x9DC0;
	[tilespmem:s30+$0x3880] =	vst v0;
	s30 =	smov.u32 s29;
	s29 =	sadd.s32 $0x40, s29  }
.Ltmp0:
0x18: {  	(pc) =	sbr.rel @p1 .LBB2_2-.Ltmp0, $2  }
0x19: {  	_ =	sdelay $0x2  }
0x1a: {  	s30 =	sshra.s32 s30, $0x2  }
0x1b: {  	[tilespmem:s30+$0x3880] =	vst v0  }
0x1c: {  	[spmem:s6] =	stream.linear.scatter [tilespmem:s17], [sflag:$0x4], $0x2780, $0x38;
	[tilespmem:$0x6000] =	vst v63  }
0x1d: {  	_ =	swait.ge [sflag:s18], $0x2780  }
0x1e: {  	[sflag:s18] =	ssyncset.done $0x0  }
0x1f: {  	[sflag:s18] =	ssyncadd.s32 $0xFFFFD880  }
0x20: {  	[bflag:$0x0] =	sbarrier.arrive $0xFFFF  }
0x21: {  	[tilespmem:s19], [sflag:$0x1] =	stream.linear.gather [hbm4b:s8+s3], $0x80, $0x38;
	[tilespmem:$0x6000] =	vst v63  }
0x22: {  	_ = 	snop  }
0x23: {  	[tilespmem:s20], [sflag:$0x1] =	stream.linear.gather [hbm4b:s9+s3], $0x800, $0x38;
	[tilespmem:$0x6000] =	vst v63  }
0x24: {  	_ = 	snop  }
0x25: {  	[tilespmem:s21], [sflag:$0x2] =	stream.linear.gather [hbm4b:s10+s3], $0x80, $0x38;
	[tilespmem:$0x6000] =	vst v63  }
0x26: {  	_ = 	snop  }
0x27: {  	[tilespmem:s22], [sflag:$0x2] =	stream.linear.gather [hbm4b:s11+s3], $0x800, $0x38;
	[tilespmem:$0x6000] =	vst v63  }
0x28: {  	_ =	swait.ge [sflag:s23], $0x80  }
0x29: {  	[sflag:s23] =	ssyncset.done $0x0  }
0x2a: {  	[sflag:s23] =	ssyncadd.s32 $0xFFFFFF80  }
0x2b: {  	_ =	swait.ge [sflag:s23], $0x800  }
0x2c: {  	[sflag:s23] =	ssyncset.done $0x0  }
0x2d: {  	[sflag:s23] =	ssyncadd.s32 $0xFFFFF800  }
0x2e: {  	[spmem:s1] =	stream.indirect.scatter.add.f32 [tilespmem:s20], [sflag:$0x3], $0x10, s19, s24, $0xb8;
	[tilespmem:$0x6000] =	vst v63  }
0x2f: {  	_ =	swait.ge [sflag:s25], $0x800  }
0x30: {  	s29 =	rddreg [dreg:$0x4]  }
0x31: {  	s29 =	sadd.s32 $0xFFFFFFB2, s29  }
0x32: {  	s30 =	sadd.s32 $0x50, s29  }
0x33: {  	s31 =	smov.u32 s0;
	p1 =	slt.s32 s30, s0  }
0x34: {  	s31 =	smov.u32 @p1 s30  }
0x35: {  	s30 =	sshll.u32 s31, $0x4  }
0x36: {  	[sflag:s25] =	ssyncset.done $0x0;
	s31 =	sshll.u32 s31, $0x8;
	s30 =	sand.u32 $0x1FFFFFE0, s30  }
0x37: {  	[sflag:s25] =	ssyncadd.s32 $0xFFFFF800;
	s31 =	sand.u32 $0x1FFFFE00, s31;
	s30 =	sadd.s32 s4, s30  }
0x38: {  	[tilespmem:s19], [sflag:$0x1] =	stream.linear.gather [hbm4b:s30+s3], $0x80, $0x38;
	[tilespmem:$0x6000] =	vst v63  }
0x39: {  	s30 =	sadd.s32 s5, s31  }
0x3a: {  	[tilespmem:s20], [sflag:$0x1] =	stream.linear.gather [hbm4b:s30+s3], $0x800, $0x38;
	[tilespmem:$0x6000] =	vst v63  }
0x3b: {  	_ =	swait.ge [sflag:s26], $0x80  }
0x3c: {  	[sflag:s26] =	ssyncset.done $0x0  }
0x3d: {  	[sflag:s26] =	ssyncadd.s32 $0xFFFFFF80  }
0x3e: {  	s29 =	sadd.s32 $0x51, s29;
	_ =	swait.ge [sflag:s26], $0x800  }
0x3f: {  	p1 =	slt.s32 s29, s12;
	s30 =	smov.u32 s12;
	[sflag:s26] =	ssyncset.done $0x0  }
0x40: {  	s30 =	smov.u32 @p1 s29;
	[sflag:s26] =	ssyncadd.s32 $0xFFFFF800  }
0x41: {  	[spmem:s1] =	stream.indirect.scatter.add.f32 [tilespmem:s22], [sflag:$0x3], $0x10, s21, s24, $0xb8;
	[tilespmem:$0x6000] =	vst v63  }
0x42: {  	s29 =	sshll.u32 s30, $0x4;
	_ =	swait.ge [sflag:s25], $0x800  }
0x43: {  	s30 =	sshll.u32 s30, $0x8;
	s29 =	sand.u32 $0x1FFFFFF0, s29;
	[sflag:s25] =	ssyncset.done $0x0  }
0x44: {  	s30 =	sand.u32 $0x1FFFFF00, s30;
	s29 =	sadd.s32 s4, s29;
	[sflag:s25] =	ssyncadd.s32 $0xFFFFF800  }
0x45: {  	[tilespmem:s21], [sflag:$0x2] =	stream.linear.gather [hbm4b:s29+s3], $0x80, $0x38;
	[tilespmem:$0x6000] =	vst v63  }
0x46: {  	s30 =	sadd.s32 s5, s30;
	s29 =	simm.s32 $0xFFFFFFB4  }
.LBB2_4:
0x47: {  	[tilespmem:s22], [sflag:$0x2] =	stream.linear.gather [hbm4b:s30+s3], $0x800, $0x38;
	[tilespmem:$0x6000] =	vst v63  }
0x48: {  	_ =	swait.ge [sflag:s23], $0x80  }
0x49: {  	[sflag:s23] =	ssyncset.done $0x0  }
0x4a: {  	[sflag:s23] =	ssyncadd.s32 $0xFFFFFF80  }
0x4b: {  	_ =	swait.ge [sflag:s23], $0x800  }
0x4c: {  	[sflag:s23] =	ssyncset.done $0x0  }
0x4d: {  	[sflag:s23] =	ssyncadd.s32 $0xFFFFF800  }
0x4e: {  	[spmem:s1] =	stream.indirect.scatter.add.f32 [tilespmem:s20], [sflag:$0x3], $0x10, s19, s24, $0xb8;
	[tilespmem:$0x6000] =	vst v63  }
0x4f: {  	_ =	swait.ge [sflag:s25], $0x800  }
0x50: {  	s30 =	smov.u32 s29;
	s31 =	rddreg [dreg:$0x4]  }
0x51: {  	s30 =	sadd.s32 s30, s31  }
0x52: {  	s31 =	sadd.s32 $0x50, s30  }
0x53: {  	s7 =	smov.u32 s0;
	s30 =	sadd.s32 $0x51, s30;
	p2 =	slt.s32 s31, s0  }
0x54: {  	p3 =	slt.s32 s30, s12;
	s7 =	smov.u32 @p2 s31;
	s31 =	smov.u32 s12  }
0x55: {  	s31 =	smov.u32 @p3 s30;
	s30 =	sshll.u32 s7, $0x4  }
0x56: {  	[sflag:s25] =	ssyncset.done $0x0;
	s7 =	sshll.u32 s7, $0x8;
	s30 =	sand.u32 $0x1FFFFFE0, s30  }
0x57: {  	[sflag:s25] =	ssyncadd.s32 $0xFFFFF800;
	s7 =	sand.u32 $0x1FFFFE00, s7;
	s30 =	sadd.s32 s4, s30  }
0x58: {  	[tilespmem:s19], [sflag:$0x1] =	stream.linear.gather [hbm4b:s30+s3], $0x80, $0x38;
	[tilespmem:$0x6000] =	vst v63  }
0x59: {  	s7 =	sadd.s32 s5, s7  }
0x5a: {  	[tilespmem:s20], [sflag:$0x1] =	stream.linear.gather [hbm4b:s7+s3], $0x800, $0x38;
	[tilespmem:$0x6000] =	vst v63  }
0x5b: {  	_ =	swait.ge [sflag:s26], $0x80  }
0x5c: {  	[sflag:s26] =	ssyncset.done $0x0  }
0x5d: {  	[sflag:s26] =	ssyncadd.s32 $0xFFFFFF80  }
0x5e: {  	_ =	swait.ge [sflag:s26], $0x800  }
0x5f: {  	[sflag:s26] =	ssyncset.done $0x0  }
0x60: {  	p1 =	sne.s32 s29, $0xFFFFFFFE;
	[sflag:s26] =	ssyncadd.s32 $0xFFFFF800  }
0x61: {  	[spmem:s1] =	stream.indirect.scatter.add.f32 [tilespmem:s22], [sflag:$0x3], $0x10, s21, s24, $0xb8;
	[tilespmem:$0x6000] =	vst v63  }
.Ltmp1:
0x62: {  	s29 =	sadd.s32 $0x2, s29;
	(pc) =	sbr.rel @p1 .LBB2_4-.Ltmp1, $4  }
0x63: {  	s2 =	sshll.u32 s31, $0x4;
	s30 =	sshll.u32 s31, $0x8;
	_ =	swait.ge [sflag:s25], $0x800  }
0x64: {  	s2 =	sand.u32 $0x1FFFFFF0, s2;
	s31 =	sand.u32 $0x1FFFFF00, s30;
	[sflag:s25] =	ssyncset.done $0x0  }
0x65: {  	s2 =	sadd.s32 s4, s2;
	s30 =	sadd.s32 s5, s31;
	[sflag:s25] =	ssyncadd.s32 $0xFFFFF800  }
0x66: {  	[tilespmem:s21], [sflag:$0x2] =	stream.linear.gather [hbm4b:s2+s3], $0x80, $0x38;
	[tilespmem:$0x6000] =	vst v63  }
0x67: {  	[tilespmem:s22], [sflag:$0x2] =	stream.linear.gather [hbm4b:s30+s3], $0x800, $0x38;
	[tilespmem:$0x6000] =	vst v63  }
0x68: {  	_ =	swait.ge [sflag:s23], $0x80  }
0x69: {  	[sflag:s23] =	ssyncset.done $0x0  }
0x6a: {  	[sflag:s23] =	ssyncadd.s32 $0xFFFFFF80  }
0x6b: {  	_ =	swait.ge [sflag:s23], $0x800  }
0x6c: {  	[sflag:s23] =	ssyncset.done $0x0  }
0x6d: {  	[sflag:s23] =	ssyncadd.s32 $0xFFFFF800  }
0x6e: {  	_ =	swait.ge [sflag:s26], $0x80  }
0x6f: {  	[sflag:s26] =	ssyncset.done $0x0  }
0x70: {  	[sflag:s26] =	ssyncadd.s32 $0xFFFFFF80  }
0x71: {  	_ =	swait.ge [sflag:s26], $0x800  }
0x72: {  	s2 =	simm.s32 @!p0 $0x0;
	[sflag:s26] =	ssyncset.done $0x0  }
0x73: {  	s7 =	simm.s32 @!p0 $0x2780;
	s29 =	simm.s32 @!p0 $0x4;
	[sflag:s26] =	ssyncadd.s32 $0xFFFFF800  }
0x74: {  	[tilespmem:s7], [sflag:$0x4] =	stream.linear.gather @!p0 [hbm4b:s13+s2], $0x80, $0x38;
	[tilespmem:$0x6000] =	vst v63  }
0x75: {  	_ =	swait.ge @!p0 [sflag:s29], $0x80  }
0x76: {  	[sflag:s29] =	ssyncset.done @!p0 $0x0  }
0x77: {  	s30 =	simm.s32 @!p0 $0x2880;
	[sflag:s29] =	ssyncadd.s32 @!p0 $0xFFFFFF80  }
0x78: {  	[tilespmem:s30], [sflag:$0x4] =	stream.linear.gather @!p0 [hbm4b:s14+s2], $0x800, $0x38;
	[tilespmem:$0x6000] =	vst v63  }
0x79: {  	_ =	swait.ge @!p0 [sflag:s29], $0x800  }
0x7a: {  	[sflag:s29] =	ssyncset.done @!p0 $0x0  }
0x7b: {  	s2 =	simm.s32 @!p0 $0x80;
	[sflag:s29] =	ssyncadd.s32 @!p0 $0xFFFFF800  }
0x7c: {  	[spmem:s1] =	stream.indirect.scatter.add.f32 @!p0 [tilespmem:s30], [sflag:$0x4], $0x10, s7, s2, $0xb8;
	[tilespmem:$0x6000] =	vst v63  }
0x7d: {  	s31 =	sshrl.u32 s6, $0x3;
	_ =	swait.ge @!p0 [sflag:s29], $0x800  }
0x7e: {  	s28 =	sadd.s32 $0x1, s28;
	s30 =	stileid.u32;
	[sflag:s29] =	ssyncset.done @!p0 $0x0  }
0x7f: {  	p1 =	sne.s32 s28, s16;
	s2 =	sshll.u32 s30, $0x6;
	[sflag:s29] =	ssyncadd.s32 @!p0 $0xFFFFF800  }
.Ltmp2:
0x80: {  	s2 =	sor.u32 $0x1C04, s2;
	[bflag:$0x0] =	sbarrier.arrive $0xFFFF;
	(pc) =	sbr.rel @p1 .LBB2_1-.Ltmp2, $4  }
0x81: {  	[hbm:s15], [sflag:s2] =	dma.local [spmem:s31], $0x4F0  }
0x82: {  	_ =	swait.ge [sflag:s18], $0x4F0  }
0x83: {  	[sflag:s18] =	ssyncset.done $0x0  }
0x84: {  	[sflag:s18] =	ssyncadd.s32 $0xFFFFFB10  }
0x85: {  	_ =	sfence.sel $0x180000  }
0x86: {  	[bflag:$0x0] =	sbarrier.arrive $0xFFFF  }
0x87: {  	_ =	strace $0x90000047  }
0x88: {  	s0 =	stileid.u32;
	[bflag:$0x2] =	sbarrier.arrive $0xFFFF  }
0x89: {  	p0 =	sne.s32 s0, $0x0;
	s0 =	rddreg [dreg:$0x3]  }
0x8a: {  	s0 =	sadd.s32 @!p0 $0x100000, s0  }
0x8b: {  	[sflag:s0] =	ssyncadd.tile.s32 @!p0 $0x1;
	_ =	shalt  }
.Lfunc_end2:
_tile_overlayer_lowered:
.L_overlay_start_2:
0x8c: {  	(tag) =	ssettag $0x2  }
0x8d: {  	s0 =	rddreg [dreg:$0x0];
	s2 =	stileid.u32  }
0x8e: {  	s1 =	rddreg [dreg:$0x1];
	p0 =	sne.s32 s2, $0x0  }
0x8f: {  	s3 =	rddreg [dreg:$0x2];
	[bflag:$0x3] =	sbarrier.arrive $0xFFFF;
	s2 =	simm.s32 @!p0 $0x1C04  }
0x90: {  	[timem:s3], [sflag:s2] =	dma.local @!p0 [hbm:s0], s1  }
0x91: {  	s0 =	simm.s32 @!p0 $0x4  }
0x92: {  	_ =	swait.ge @!p0 [sflag:s0], s1  }
0x93: {  	s1 =	ssub.s32 @!p0 $0x0, s1;
	[sflag:s0] =	ssyncset.done @!p0 $0x0  }
0x94: {  	[sflag:s0] =	ssyncadd.s32 @!p0 s1  }
0x95: {  	[bflag:$0x3] =	sbarrier.arrive $0xFFFF  }
0x96: {  	_ =	shalt  }

</sc_bundles>
